<compile_context>
chip_gen: v7x
topology: tpu7x:2x2x1
jax: 0.10.2.dev20260603
libtpu: 0.0.44.dev20260713+nightly
codegen_flags: <defaults>
</compile_context>

<pallas_src>
import functools

import jax
import jax.numpy as jnp
from jax import lax
from jax.experimental import pallas as pl
from jax.experimental.pallas import tpu as pltpu
from jax.experimental.pallas import tpu_sc as plsc

N = 10000
ZPAD = 10112
DEGPAD = 10240
E = 320000
F = 128
H = 512
OUT = 2
NC, NS = 2, 16
NW = NC * NS
EPT = E // NW
CH, CW = 80, 125
CHH = 40
ROWS_PER_TILE = ZPAD // NS
DEG_ROWS_PER_TILE = DEGPAD // NS
RB = 1264

_MESH = dict(core_axis_name="c", subcore_axis_name="s", num_cores=NC,
             num_subcores=NS)


def _deg_body(dst_hbm, ones_hbm, zeros_hbm, out_hbm, didx_v, ones_v, deg_sh,
              sem):
    c = lax.axis_index("c")
    s = lax.axis_index("s")
    wid = c * NS + s
    pltpu.sync_copy(dst_hbm.at[wid], didx_v)
    pltpu.sync_copy(ones_hbm, ones_v)
    pltpu.sync_copy(zeros_hbm, deg_sh.at[pl.ds(s * DEG_ROWS_PER_TILE,
                                               DEG_ROWS_PER_TILE)])
    plsc.subcore_barrier()

    def fire(j, carry):
        pltpu.async_copy(ones_v.at[pl.ds(0, CW)], deg_sh.at[didx_v.at[j]],
                         sem, add=True)
        return carry

    lax.fori_loop(0, CH, fire, 0)

    def drain(j, carry):
        pltpu.make_async_copy(ones_v.at[pl.ds(0, CW)],
                              deg_sh.at[didx_v.at[j]], sem).wait()
        return carry

    lax.fori_loop(0, CH, drain, 0)
    plsc.subcore_barrier()
    sl = pl.ds(s * DEG_ROWS_PER_TILE, DEG_ROWS_PER_TILE)
    pltpu.sync_copy(deg_sh.at[sl], out_hbm.at[c, sl])


def _deg_sc(dst3, ones128, zeros640):
    k = functools.partial(
        pl.kernel,
        out_type=jax.ShapeDtypeStruct((NC, DEGPAD), jnp.float32),
        mesh=plsc.VectorSubcoreMesh(**_MESH),
        scratch_types=[
            pltpu.VMEM((CH, CW), jnp.int32),
            pltpu.VMEM((128,), jnp.float32),
            pltpu.VMEM_SHARED((DEGPAD,), jnp.float32),
            pltpu.SemaphoreType.DMA,
        ],
    )(_deg_body)
    return k(dst3, ones128, zeros640)


def _agg_body(y_hbm, src_hbm, dst_hbm, zeros_hbm, out_hbm, sidx_v, didx_v,
              gbuf, z_sh, gsem):
    c = lax.axis_index("c")
    s = lax.axis_index("s")
    wid = c * NS + s
    rsl = pl.ds(s * ROWS_PER_TILE, ROWS_PER_TILE)

    @pl.when(c == 0)
    def _():
        pltpu.sync_copy(y_hbm.at[rsl, :], z_sh.at[rsl, :])

    @pl.when(c != 0)
    def _():
        pltpu.sync_copy(zeros_hbm, z_sh.at[rsl, :])

    plsc.subcore_barrier()

    for h in range(CH // CHH):
        pltpu.sync_copy(src_hbm.at[wid, pl.ds(h * CHH, CHH)], sidx_v)
        pltpu.sync_copy(dst_hbm.at[wid, pl.ds(h * CHH, CHH)], didx_v)
        pltpu.async_copy(y_hbm.at[sidx_v.at[0]], gbuf.at[0], gsem.at[0])
        pltpu.async_copy(y_hbm.at[sidx_v.at[1]], gbuf.at[1], gsem.at[1])

        def body(j, carry):
            slot = lax.rem(j, 2)
            pltpu.make_async_copy(y_hbm.at[sidx_v.at[j]], gbuf.at[slot],
                                  gsem.at[slot]).wait()
            pltpu.sync_copy(gbuf.at[slot], z_sh.at[didx_v.at[j]], add=True)

            @pl.when(j + 2 < CHH)
            def _():
                pltpu.async_copy(y_hbm.at[sidx_v.at[j + 2]], gbuf.at[slot],
                                 gsem.at[slot])

            return carry

        lax.fori_loop(0, CHH, body, 0)

    plsc.subcore_barrier()
    pltpu.sync_copy(z_sh.at[rsl, :], out_hbm.at[c, rsl, :])


def _agg_sc(y, src3, dst3, zeros_blk):
    k = functools.partial(
        pl.kernel,
        out_type=jax.ShapeDtypeStruct((NC, ZPAD, F), jnp.float32),
        mesh=plsc.VectorSubcoreMesh(**_MESH),
        scratch_types=[
            pltpu.VMEM((CHH, CW), jnp.int32),
            pltpu.VMEM((CHH, CW), jnp.int32),
            pltpu.VMEM((2, CW, F), jnp.float32),
            pltpu.VMEM_SHARED((ZPAD, F), jnp.float32),
            pltpu.SemaphoreType.DMA((2,)),
        ],
    )(_agg_body)
    return k(y, src3, dst3, zeros_blk)


def _scale_body(x_ref, d0_ref, d1_ref, y_ref, dinv_ref):
    inv = lax.rsqrt(d0_ref[...] + d1_ref[...] + 1.0)
    y_ref[...] = x_ref[...] * inv
    dinv_ref[...] = inv


def _scale_tc(x, degp0, degp1):
    return pl.pallas_call(
        _scale_body,
        grid=(ZPAD // RB,),
        in_specs=[
            pl.BlockSpec((RB, F), lambda i: (i, 0)),
            pl.BlockSpec((RB, 1), lambda i: (i, 0)),
            pl.BlockSpec((RB, 1), lambda i: (i, 0)),
        ],
        out_specs=[
            pl.BlockSpec((RB, F), lambda i: (i, 0)),
            pl.BlockSpec((RB, 1), lambda i: (i, 0)),
        ],
        out_shape=[
            jax.ShapeDtypeStruct((ZPAD, F), jnp.float32),
            jax.ShapeDtypeStruct((ZPAD, 1), jnp.float32),
        ],
    )(x, degp0, degp1)


def _stats_body(z_ref, dinv_ref, G_ref, m_ref, agg_ref):
    i = pl.program_id(0)
    z = z_ref[...]
    a = (z[0] + z[1]) * dinv_ref[...]
    row = i * RB + lax.broadcasted_iota(jnp.int32, (RB, 1), 0)
    a = jnp.where(row < N, a, 0.0)
    agg_ref[...] = a

    @pl.when(i == 0)
    def _():
        G_ref[...] = jnp.zeros_like(G_ref)
        m_ref[...] = jnp.zeros_like(m_ref)

    G_ref[...] += lax.dot_general(
        a, a, (((0,), (0,)), ((), ())),
        preferred_element_type=jnp.float32,
        precision=lax.Precision.HIGHEST)
    m_ref[...] += jnp.sum(a, axis=0, keepdims=True)


def _stats_tc(z, dinv):
    return pl.pallas_call(
        _stats_body,
        grid=(ZPAD // RB,),
        in_specs=[
            pl.BlockSpec((NC, RB, F), lambda i: (0, i, 0)),
            pl.BlockSpec((RB, 1), lambda i: (i, 0)),
        ],
        out_specs=[
            pl.BlockSpec((F, F), lambda i: (0, 0)),
            pl.BlockSpec((1, F), lambda i: (0, 0)),
            pl.BlockSpec((RB, F), lambda i: (i, 0)),
        ],
        out_shape=[
            jax.ShapeDtypeStruct((F, F), jnp.float32),
            jax.ShapeDtypeStruct((1, F), jnp.float32),
            jax.ShapeDtypeStruct((ZPAD, F), jnp.float32),
        ],
    )(z, dinv)


def _head_body(agg_ref, G_ref, m_ref, W1_ref, g_ref, be_ref, W2_ref, b2_ref,
               mk_ref, o_ref, M_s, c_s):
    i = pl.program_id(0)

    @pl.when(i == 0)
    def _():
        invn = 1.0 / N
        W1 = W1_ref[...]
        mn = m_ref[...] * invn
        mh0 = lax.dot_general(mn, W1, (((1,), (0,)), ((), ())),
                              preferred_element_type=jnp.float32,
                              precision=lax.Precision.HIGHEST)
        GW = lax.dot_general(G_ref[...] * invn, W1,
                             (((1,), (0,)), ((), ())),
                             preferred_element_type=jnp.float32,
                             precision=lax.Precision.HIGHEST)
        varh = jnp.sum(GW * W1, axis=0, keepdims=True) - mh0 * mh0
        sv = g_ref[...] * lax.rsqrt(varh + 1e-5)
        M_s[...] = lax.dot_general(W1 * sv, W2_ref[...],
                                   (((1,), (0,)), ((), ())),
                                   preferred_element_type=jnp.float32,
                                   precision=lax.Precision.HIGHEST)
        c_s[...] = lax.dot_general(be_ref[...] - mh0 * sv, W2_ref[...],
                                   (((1,), (0,)), ((), ())),
                                   preferred_element_type=jnp.float32,
                                   precision=lax.Precision.HIGHEST) + b2_ref[...]

    l = lax.dot_general(agg_ref[...], M_s[...], (((1,), (0,)), ((), ())),
                        preferred_element_type=jnp.float32,
                        precision=lax.Precision.HIGHEST) + c_s[...]
    r = jnp.maximum(l, 0.0) * mk_ref[...]
    mx = jnp.max(r, axis=1, keepdims=True)
    e = jnp.exp(r - mx)
    o_ref[...] = e / jnp.sum(e, axis=1, keepdims=True)


def _head_tc(agg, G, m, W1, gamma2, beta2, W2, b22, maskcol):
    return pl.pallas_call(
        _head_body,
        grid=(ZPAD // RB,),
        in_specs=[
            pl.BlockSpec((RB, F), lambda i: (i, 0)),
            pl.BlockSpec((F, F), lambda i: (0, 0)),
            pl.BlockSpec((1, F), lambda i: (0, 0)),
            pl.BlockSpec((F, H), lambda i: (0, 0)),
            pl.BlockSpec((1, H), lambda i: (0, 0)),
            pl.BlockSpec((1, H), lambda i: (0, 0)),
            pl.BlockSpec((H, OUT), lambda i: (0, 0)),
            pl.BlockSpec((1, OUT), lambda i: (0, 0)),
            pl.BlockSpec((RB, 1), lambda i: (i, 0)),
        ],
        out_specs=pl.BlockSpec((RB, OUT), lambda i: (i, 0)),
        out_shape=jax.ShapeDtypeStruct((N, OUT), jnp.float32),
        scratch_shapes=[
            pltpu.VMEM((F, OUT), jnp.float32),
            pltpu.VMEM((1, OUT), jnp.float32),
        ],
    )(agg, G, m, W1, gamma2, beta2, W2, b22, maskcol)


def kernel(state, edge_index, edge_attr, mask, W1, b1, gamma, beta, W2, b2):
    del edge_attr, b1
    x = state.reshape(N, F)
    src3 = edge_index[0].reshape(NW, CH, CW)
    dst3 = edge_index[1].reshape(NW, CH, CW)
    ones128 = jnp.ones((128,), jnp.float32)
    zeros640 = jnp.zeros((DEG_ROWS_PER_TILE,), jnp.float32)
    zeros_blk = jnp.zeros((ROWS_PER_TILE, F), jnp.float32)

    degp = _deg_sc(dst3, ones128, zeros640)
    degp0 = degp[0].reshape(DEGPAD, 1)
    degp1 = degp[1].reshape(DEGPAD, 1)
    y, dinv = _scale_tc(x, degp0, degp1)
    z = _agg_sc(y, src3, dst3, zeros_blk)
    G, m, agg = _stats_tc(z, dinv)
    maskcol = mask.astype(jnp.float32).reshape(N, 1)
    return _head_tc(agg, G, m, W1, gamma.reshape(1, H), beta.reshape(1, H),
                    W2, b2.reshape(1, OUT), maskcol)

# --- scband reference (transcript-rebuilt; emitter-appended) ---
"""Pipeline reference for scband-actor-gcn-25726854103114 (READ-ONLY COPY).

The authoritative reference and input builder live on the scoring server;
editing this copy changes nothing except your own understanding.
"""

import jax, jax.numpy as jnp
import numpy as np

N = 10000
E = 320000
FEAT = 128   # node_feature_dim (state is [N, 8, 16] -> reshaped to [N, 128])
HEADS = 4
HID = 128    # hidden_dim; GCN output dim = hidden_dim * heads = 512 (multi-head concat interpretation)
OUT = 2


def setup_inputs(seed: int = 0) -> dict:
    key = jax.random.key(seed)
    ks = jax.random.split(key, 12)
    state = jax.random.normal(ks[0], (N, 8, 16), dtype=jnp.float32)
    edge_index = jax.random.randint(ks[1], (2, E), 0, N, dtype=jnp.int32)
    edge_attr = jax.random.normal(ks[2], (E, 4), dtype=jnp.float32)
    mask = jnp.ones((N,), dtype=bool)
    W1 = jax.random.normal(ks[3], (FEAT, HID * HEADS), dtype=jnp.float32) * (1.0 / np.sqrt(FEAT))
    b1 = jnp.zeros((HID * HEADS,), dtype=jnp.float32)
    gamma = jnp.ones((HID * HEADS,), dtype=jnp.float32)
    beta = jnp.zeros((HID * HEADS,), dtype=jnp.float32)
    W2 = jax.random.normal(ks[4], (FEAT * HEADS, OUT), dtype=jnp.float32) * (1.0 / np.sqrt(FEAT * HEADS))
    b2 = jnp.zeros((OUT,), dtype=jnp.float32)
    return {"state": state, "edge_index": edge_index, "edge_attr": edge_attr, "mask": mask,
            "W1": W1, "b1": b1, "gamma": gamma, "beta": beta, "W2": W2, "b2": b2}


def gcn_conv(x, edge_index, W, b):
    # GCNConv: D^{-1/2} (A + I) D^{-1/2} X W + b
    n = x.shape[0]
    loop = jnp.arange(n, dtype=edge_index.dtype)
    src = jnp.concatenate([edge_index[0], loop])
    dst = jnp.concatenate([edge_index[1], loop])
    deg = jnp.zeros((n,), x.dtype).at[dst].add(1.0)
    dinv = jax.lax.rsqrt(jnp.maximum(deg, 1.0))
    norm = dinv[src] * dinv[dst]
    h = x @ W
    msg = h[src] * norm[:, None]
    out = jnp.zeros((n, W.shape[1]), x.dtype).at[dst].add(msg)
    return out + b


def reference(state, edge_index, edge_attr, mask, W1, b1, gamma, beta, W2, b2):
    # state: [N, 8, 16] -> reshape to [N, 128] as in forward
    x = state.reshape(state.shape[0], state.shape[1] * state.shape[2])
    x = gcn_conv(x, edge_index, W1, b1)
    # BatchNorm1d(hidden_dim * heads) in training mode (batch stats, biased variance)
    mean = jnp.mean(x, axis=0)
    var = jnp.var(x, axis=0)
    x = (x - mean) / jnp.sqrt(var + 1e-5) * gamma + beta
    # Linear(node_feature_dim * heads -> output_dim) + ReLU
    x = x @ W2 + b2
    x = jax.nn.relu(x)
    x = x * mask.astype(x.dtype)[:, None]
    return jax.nn.softmax(x, axis=1)

if __name__ == "__main__":
    import jax
    _d = setup_inputs()
    print(jax.jit(kernel)(*tuple(_d.values())))

</pallas_src>

<mosaic_0001>
#map = affine_map<(d0, d1) -> (0, 0, 0)>
#map1 = affine_map<(d0, d1) -> (0)>
#map2 = affine_map<(d0, d1) -> (0, 0)>
module attributes {stable_mosaic.version = 14 : i64} {
  func.func @_deg_body(%arg0: i32, %arg1: i32, %arg2: memref<32x80x125xi32, #tpu.memory_space<hbm>>, %arg3: memref<128xf32, #tpu.memory_space<hbm>>, %arg4: memref<640xf32, #tpu.memory_space<hbm>>, %arg5: memref<2x10240xf32, #tpu.memory_space<hbm>>, %arg6: memref<80x125xi32, #tpu.memory_space<vmem>>, %arg7: memref<128xf32, #tpu.memory_space<vmem>>, %arg8: memref<10240xf32, #tpu.memory_space<vmem_shared>>, %arg9: memref<!tpu.dma_semaphore, #tpu.memory_space<semaphore_mem>>) attributes {dimension_semantics = [#tpu.dimension_semantics<core_parallel>, #tpu.dimension_semantics<subcore_parallel>], iteration_bounds = array<i64: 2, 16>, scalar_prefetch = 0 : i64, scratch_operands = 4 : i64, tpu.core_type = #tpu.core_type<sc_vector_subcore>, window_params = [{transform_indices = #map}, {transform_indices = #map1}, {transform_indices = #map1}, {transform_indices = #map2}]} {
    %mul3A = arith.constant 16 : i32
    %mul3A_0 = arith.muli %arg0, %mul3A : i32
    %add3A = arith.addi %mul3A_0, %arg1 : i32
    "tpu.region"() ({
      %run_scoped3A = tpu.sem_alloc : memref<!tpu.dma_semaphore, #tpu.memory_space<semaphore_mem>>
      %dma_start3A = arith.constant 0 : i32
      %dma_start3A_17 = arith.constant 0 : i32
      %dma_start3A_18 = tpu.memref_slice %arg2[%add3A, %dma_start3A, %dma_start3A_17] : memref<32x80x125xi32, #tpu.memory_space<hbm>> -> memref<1x80x125xi32, #tpu.memory_space<hbm>>
      %dma_start3A_19 = tpu.memref_squeeze %dma_start3A_18 : memref<1x80x125xi32, #tpu.memory_space<hbm>> -> memref<80x125xi32, #tpu.memory_space<hbm>>
      %dma_start3A_20 = arith.constant 0 : i32
      %dma_start3A_21 = arith.constant 0 : i32
      %dma_start3A_22 = tpu.memref_slice %arg2[%add3A, %dma_start3A_20, %dma_start3A_21] : memref<32x80x125xi32, #tpu.memory_space<hbm>> -> memref<1x80x125xi32, #tpu.memory_space<hbm>>
      %dma_start3A_23 = tpu.memref_squeeze %dma_start3A_22 : memref<1x80x125xi32, #tpu.memory_space<hbm>> -> memref<80x125xi32, #tpu.memory_space<hbm>>
      tpu.enqueue_dma source(%dma_start3A_23 : memref<80x125xi32, #tpu.memory_space<hbm>>) target(%arg6 : memref<80x125xi32, #tpu.memory_space<vmem>>) target_semaphore(%run_scoped3A : memref<!tpu.dma_semaphore, #tpu.memory_space<semaphore_mem>>)
      %dma_wait3A = arith.constant 0 : i32
      %dma_wait3A_24 = arith.constant 0 : i32
      %dma_wait3A_25 = tpu.memref_slice %arg2[%add3A, %dma_wait3A, %dma_wait3A_24] : memref<32x80x125xi32, #tpu.memory_space<hbm>> -> memref<1x80x125xi32, #tpu.memory_space<hbm>>
      %dma_wait3A_26 = tpu.memref_squeeze %dma_wait3A_25 : memref<1x80x125xi32, #tpu.memory_space<hbm>> -> memref<80x125xi32, #tpu.memory_space<hbm>>
      %dma_wait3A_27 = arith.constant 0 : i32
      %dma_wait3A_28 = arith.constant 0 : i32
      %dma_wait3A_29 = tpu.memref_slice %arg2[%add3A, %dma_wait3A_27, %dma_wait3A_28] : memref<32x80x125xi32, #tpu.memory_space<hbm>> -> memref<1x80x125xi32, #tpu.memory_space<hbm>>
      %dma_wait3A_30 = tpu.memref_squeeze %dma_wait3A_29 : memref<1x80x125xi32, #tpu.memory_space<hbm>> -> memref<80x125xi32, #tpu.memory_space<hbm>>
      tpu.wait_dma2 semaphore(%run_scoped3A : memref<!tpu.dma_semaphore, #tpu.memory_space<semaphore_mem>>) src(%dma_wait3A_30 : memref<80x125xi32, #tpu.memory_space<hbm>>) dst(%arg6 : memref<80x125xi32, #tpu.memory_space<vmem>>)
      tpu.yield
    }) : () -> ()
    "tpu.region"() ({
      %run_scoped3A = tpu.sem_alloc : memref<!tpu.dma_semaphore, #tpu.memory_space<semaphore_mem>>
      tpu.enqueue_dma source(%arg3 : memref<128xf32, #tpu.memory_space<hbm>>) target(%arg7 : memref<128xf32, #tpu.memory_space<vmem>>) target_semaphore(%run_scoped3A : memref<!tpu.dma_semaphore, #tpu.memory_space<semaphore_mem>>)
      tpu.wait_dma2 semaphore(%run_scoped3A : memref<!tpu.dma_semaphore, #tpu.memory_space<semaphore_mem>>) src(%arg3 : memref<128xf32, #tpu.memory_space<hbm>>) dst(%arg7 : memref<128xf32, #tpu.memory_space<vmem>>)
      tpu.yield
    }) : () -> ()
    %mul3A_1 = arith.constant 640 : i32
    %mul3A_2 = arith.muli %arg1, %mul3A_1 : i32
    "tpu.region"() ({
      %run_scoped3A = tpu.sem_alloc : memref<!tpu.dma_semaphore, #tpu.memory_space<semaphore_mem>>
      %dma_start3A = tpu.memref_slice %arg8[%mul3A_2] : memref<10240xf32, #tpu.memory_space<vmem_shared>> -> memref<640xf32, #tpu.memory_space<vmem_shared>>
      tpu.enqueue_dma source(%arg4 : memref<640xf32, #tpu.memory_space<hbm>>) target(%dma_start3A : memref<640xf32, #tpu.memory_space<vmem_shared>>) target_semaphore(%run_scoped3A : memref<!tpu.dma_semaphore, #tpu.memory_space<semaphore_mem>>)
      %dma_wait3A = tpu.memref_slice %arg8[%mul3A_2] : memref<10240xf32, #tpu.memory_space<vmem_shared>> -> memref<640xf32, #tpu.memory_space<vmem_shared>>
      tpu.wait_dma2 semaphore(%run_scoped3A : memref<!tpu.dma_semaphore, #tpu.memory_space<semaphore_mem>>) src(%arg4 : memref<640xf32, #tpu.memory_space<hbm>>) dst(%dma_wait3A : memref<640xf32, #tpu.memory_space<vmem_shared>>)
      tpu.yield
    }) : () -> ()
    %barrier3A = arith.constant 0 : index
    tpu.barrier barrier_id(%barrier3A)
    %scan3A = arith.constant 0 : i32
    %scan3A_3 = arith.constant 0 : i32
    %scan3A_4 = arith.constant 80 : i32
    %scan3A_5 = arith.addi %scan3A_3, %scan3A_4 : i32
    %scan3A_6 = arith.constant 1 : i32
    scf.for %scan3A_17 = %scan3A_3 to %scan3A_5 step %scan3A_6  : i32 {
      %dma_start3A = arith.constant 0 : i32
      %dma_start3A_18 = tpu.memref_slice %arg7[%dma_start3A] : memref<128xf32, #tpu.memory_space<vmem>> -> memref<125xf32, #tpu.memory_space<vmem>>
      %dma_start3A_19 = arith.constant 0 : i32
      %dma_start3A_20 = tpu.memref_slice %arg6[%scan3A_17, %dma_start3A_19] : memref<80x125xi32, #tpu.memory_space<vmem>> -> memref<1x125xi32, #tpu.memory_space<vmem>>
      %dma_start3A_21 = tpu.memref_squeeze %dma_start3A_20 : memref<1x125xi32, #tpu.memory_space<vmem>> -> memref<125xi32, #tpu.memory_space<vmem>>
      %dma_start3A_22 = arith.constant 0 : i32
      %dma_start3A_23 = tpu.memref_slice %arg8[%dma_start3A_22] : memref<10240xf32, #tpu.memory_space<vmem_shared>> -> memref<10240xf32, #tpu.memory_space<vmem_shared>>
      tpu.enqueue_indirect_dma source(%dma_start3A_18 : memref<125xf32, #tpu.memory_space<vmem>>) target(%dma_start3A_23 : memref<10240xf32, #tpu.memory_space<vmem_shared>>) offsets(%dma_start3A_21 : memref<125xi32, #tpu.memory_space<vmem>>) semaphore(%arg9 : memref<!tpu.dma_semaphore, #tpu.memory_space<semaphore_mem>>) {add = true}
    }
    %scan3A_7 = arith.constant 80 : i32
    %scan3A_8 = arith.constant 0 : i32
    %scan3A_9 = arith.constant 0 : i32
    %scan3A_10 = arith.constant 80 : i32
    %scan3A_11 = arith.addi %scan3A_9, %scan3A_10 : i32
    %scan3A_12 = arith.constant 1 : i32
    scf.for %scan3A_17 = %scan3A_9 to %scan3A_11 step %scan3A_12  : i32 {
      %dma_wait3A = arith.constant 0 : i32
      %dma_wait3A_18 = tpu.memref_slice %arg7[%dma_wait3A] : memref<128xf32, #tpu.memory_space<vmem>> -> memref<125xf32, #tpu.memory_space<vmem>>
      %dma_wait3A_19 = arith.constant 0 : i32
      %dma_wait3A_20 = tpu.memref_slice %arg6[%scan3A_17, %dma_wait3A_19] : memref<80x125xi32, #tpu.memory_space<vmem>> -> memref<1x125xi32, #tpu.memory_space<vmem>>
      %dma_wait3A_21 = tpu.memref_squeeze %dma_wait3A_20 : memref<1x125xi32, #tpu.memory_space<vmem>> -> memref<125xi32, #tpu.memory_space<vmem>>
      %dma_wait3A_22 = arith.constant 0 : i32
      %dma_wait3A_23 = tpu.memref_slice %arg8[%dma_wait3A_22] : memref<10240xf32, #tpu.memory_space<vmem_shared>> -> memref<10240xf32, #tpu.memory_space<vmem_shared>>
      tpu.wait_indirect_dma semaphore(%arg9 : memref<!tpu.dma_semaphore, #tpu.memory_space<semaphore_mem>>) src(%dma_wait3A_18 : memref<125xf32, #tpu.memory_space<vmem>>) dst(%dma_wait3A_23 : memref<10240xf32, #tpu.memory_space<vmem_shared>>)
    }
    %scan3A_13 = arith.constant 80 : i32
    %barrier3A_14 = arith.constant 0 : index
    tpu.barrier barrier_id(%barrier3A_14)
    %mul3A_15 = arith.constant 640 : i32
    %mul3A_16 = arith.muli %arg1, %mul3A_15 : i32
    "tpu.region"() ({
      %run_scoped3A = tpu.sem_alloc : memref<!tpu.dma_semaphore, #tpu.memory_space<semaphore_mem>>
      %dma_start3A = tpu.memref_slice %arg5[%arg0, %mul3A_16] : memref<2x10240xf32, #tpu.memory_space<hbm>> -> memref<1x640xf32, #tpu.memory_space<hbm>>
      %dma_start3A_17 = tpu.memref_squeeze %dma_start3A : memref<1x640xf32, #tpu.memory_space<hbm>> -> memref<640xf32, #tpu.memory_space<hbm>>
      %dma_start3A_18 = tpu.memref_slice %arg8[%mul3A_16] : memref<10240xf32, #tpu.memory_space<vmem_shared>> -> memref<640xf32, #tpu.memory_space<vmem_shared>>
      tpu.enqueue_dma source(%dma_start3A_18 : memref<640xf32, #tpu.memory_space<vmem_shared>>) target(%dma_start3A_17 : memref<640xf32, #tpu.memory_space<hbm>>) target_semaphore(%run_scoped3A : memref<!tpu.dma_semaphore, #tpu.memory_space<semaphore_mem>>)
      %dma_wait3A = tpu.memref_slice %arg5[%arg0, %mul3A_16] : memref<2x10240xf32, #tpu.memory_space<hbm>> -> memref<1x640xf32, #tpu.memory_space<hbm>>
      %dma_wait3A_19 = tpu.memref_squeeze %dma_wait3A : memref<1x640xf32, #tpu.memory_space<hbm>> -> memref<640xf32, #tpu.memory_space<hbm>>
      %dma_wait3A_20 = tpu.memref_slice %arg8[%mul3A_16] : memref<10240xf32, #tpu.memory_space<vmem_shared>> -> memref<640xf32, #tpu.memory_space<vmem_shared>>
      tpu.wait_dma2 semaphore(%run_scoped3A : memref<!tpu.dma_semaphore, #tpu.memory_space<semaphore_mem>>) src(%dma_wait3A_20 : memref<640xf32, #tpu.memory_space<vmem_shared>>) dst(%dma_wait3A_19 : memref<640xf32, #tpu.memory_space<hbm>>)
      tpu.yield
    }) : () -> ()
    return
  }
}

#map = affine_map<(d0, d1) -> (0, 0)>
#map1 = affine_map<(d0, d1) -> (0, 0, 0)>
module attributes {stable_mosaic.version = 14 : i64} {
  func.func @_agg_body(%arg0: i32, %arg1: i32, %arg2: memref<10112x128xf32, #tpu.memory_space<hbm>>, %arg3: memref<32x80x125xi32, #tpu.memory_space<hbm>>, %arg4: memref<32x80x125xi32, #tpu.memory_space<hbm>>, %arg5: memref<632x128xf32, #tpu.memory_space<hbm>>, %arg6: memref<2x10112x128xf32, #tpu.memory_space<hbm>>, %arg7: memref<40x125xi32, #tpu.memory_space<vmem>>, %arg8: memref<40x125xi32, #tpu.memory_space<vmem>>, %arg9: memref<2x125x128xf32, #tpu.memory_space<vmem>>, %arg10: memref<10112x128xf32, #tpu.memory_space<vmem_shared>>, %arg11: memref<2x!tpu.dma_semaphore, #tpu.memory_space<semaphore_mem>>) attributes {dimension_semantics = [#tpu.dimension_semantics<core_parallel>, #tpu.dimension_semantics<subcore_parallel>], iteration_bounds = array<i64: 2, 16>, scalar_prefetch = 0 : i64, scratch_operands = 5 : i64, tpu.core_type = #tpu.core_type<sc_vector_subcore>, window_params = [{transform_indices = #map}, {transform_indices = #map1}, {transform_indices = #map1}, {transform_indices = #map}, {transform_indices = #map1}]} {
    %mul3A = arith.constant 16 : i32
    %mul3A_0 = arith.muli %arg0, %mul3A : i32
    %add3A = arith.addi %mul3A_0, %arg1 : i32
    %mul3A_1 = arith.constant 632 : i32
    %mul3A_2 = arith.muli %arg1, %mul3A_1 : i32
    %eq3A = arith.constant 0 : i32
    %eq3A_3 = arith.cmpi eq, %arg0, %eq3A : i32
    %convert_element_type3A = arith.extui %eq3A_3 : i1 to i32
    %cond3A = arith.constant 0 : i32
    %cond3A_4 = arith.cmpi ne, %convert_element_type3A, %cond3A : i32
    scf.if %cond3A_4 {
      "tpu.region"() ({
        %run_scoped3A = tpu.sem_alloc : memref<!tpu.dma_semaphore, #tpu.memory_space<semaphore_mem>>
        %dma_start3A_80 = arith.constant 0 : i32
        %dma_start3A_81 = tpu.memref_slice %arg10[%mul3A_2, %dma_start3A_80] : memref<10112x128xf32, #tpu.memory_space<vmem_shared>> -> memref<632x128xf32, #tpu.memory_space<vmem_shared>>
        %dma_start3A_82 = arith.constant 0 : i32
        %dma_start3A_83 = tpu.memref_slice %arg2[%mul3A_2, %dma_start3A_82] : memref<10112x128xf32, #tpu.memory_space<hbm>> -> memref<632x128xf32, #tpu.memory_space<hbm>>
        tpu.enqueue_dma source(%dma_start3A_83 : memref<632x128xf32, #tpu.memory_space<hbm>>) target(%dma_start3A_81 : memref<632x128xf32, #tpu.memory_space<vmem_shared>>) target_semaphore(%run_scoped3A : memref<!tpu.dma_semaphore, #tpu.memory_space<semaphore_mem>>)
        %dma_wait3A = arith.constant 0 : i32
        %dma_wait3A_84 = tpu.memref_slice %arg10[%mul3A_2, %dma_wait3A] : memref<10112x128xf32, #tpu.memory_space<vmem_shared>> -> memref<632x128xf32, #tpu.memory_space<vmem_shared>>
        %dma_wait3A_85 = arith.constant 0 : i32
        %dma_wait3A_86 = tpu.memref_slice %arg2[%mul3A_2, %dma_wait3A_85] : memref<10112x128xf32, #tpu.memory_space<hbm>> -> memref<632x128xf32, #tpu.memory_space<hbm>>
        tpu.wait_dma2 semaphore(%run_scoped3A : memref<!tpu.dma_semaphore, #tpu.memory_space<semaphore_mem>>) src(%dma_wait3A_86 : memref<632x128xf32, #tpu.memory_space<hbm>>) dst(%dma_wait3A_84 : memref<632x128xf32, #tpu.memory_space<vmem_shared>>)
        tpu.yield
      }) : () -> ()
    } else {
    }
    %ne3A = arith.constant 0 : i32
    %ne3A_5 = arith.cmpi ne, %arg0, %ne3A : i32
    %convert_element_type3A_6 = arith.extui %ne3A_5 : i1 to i32
    %cond3A_7 = arith.constant 0 : i32
    %cond3A_8 = arith.cmpi ne, %convert_element_type3A_6, %cond3A_7 : i32
    scf.if %cond3A_8 {
      "tpu.region"() ({
        %run_scoped3A = tpu.sem_alloc : memref<!tpu.dma_semaphore, #tpu.memory_space<semaphore_mem>>
        %dma_start3A_80 = arith.constant 0 : i32
        %dma_start3A_81 = tpu.memref_slice %arg10[%mul3A_2, %dma_start3A_80] : memref<10112x128xf32, #tpu.memory_space<vmem_shared>> -> memref<632x128xf32, #tpu.memory_space<vmem_shared>>
        tpu.enqueue_dma source(%arg5 : memref<632x128xf32, #tpu.memory_space<hbm>>) target(%dma_start3A_81 : memref<632x128xf32, #tpu.memory_space<vmem_shared>>) target_semaphore(%run_scoped3A : memref<!tpu.dma_semaphore, #tpu.memory_space<semaphore_mem>>)
        %dma_wait3A = arith.constant 0 : i32
        %dma_wait3A_82 = tpu.memref_slice %arg10[%mul3A_2, %dma_wait3A] : memref<10112x128xf32, #tpu.memory_space<vmem_shared>> -> memref<632x128xf32, #tpu.memory_space<vmem_shared>>
        tpu.wait_dma2 semaphore(%run_scoped3A : memref<!tpu.dma_semaphore, #tpu.memory_space<semaphore_mem>>) src(%arg5 : memref<632x128xf32, #tpu.memory_space<hbm>>) dst(%dma_wait3A_82 : memref<632x128xf32, #tpu.memory_space<vmem_shared>>)
        tpu.yield
      }) : () -> ()
    } else {
    }
    %barrier3A = arith.constant 0 : index
    tpu.barrier barrier_id(%barrier3A)
    "tpu.region"() ({
      %run_scoped3A = tpu.sem_alloc : memref<!tpu.dma_semaphore, #tpu.memory_space<semaphore_mem>>
      %dma_start3A_80 = arith.constant 0 : i32
      %dma_start3A_81 = arith.constant 0 : i32
      %dma_start3A_82 = tpu.memref_slice %arg3[%add3A, %dma_start3A_80, %dma_start3A_81] : memref<32x80x125xi32, #tpu.memory_space<hbm>> -> memref<1x40x125xi32, #tpu.memory_space<hbm>>
      %dma_start3A_83 = tpu.memref_squeeze %dma_start3A_82 : memref<1x40x125xi32, #tpu.memory_space<hbm>> -> memref<40x125xi32, #tpu.memory_space<hbm>>
      %dma_start3A_84 = arith.constant 0 : i32
      %dma_start3A_85 = arith.constant 0 : i32
      %dma_start3A_86 = tpu.memref_slice %arg3[%add3A, %dma_start3A_84, %dma_start3A_85] : memref<32x80x125xi32, #tpu.memory_space<hbm>> -> memref<1x40x125xi32, #tpu.memory_space<hbm>>
      %dma_start3A_87 = tpu.memref_squeeze %dma_start3A_86 : memref<1x40x125xi32, #tpu.memory_space<hbm>> -> memref<40x125xi32, #tpu.memory_space<hbm>>
      tpu.enqueue_dma source(%dma_start3A_87 : memref<40x125xi32, #tpu.memory_space<hbm>>) target(%arg7 : memref<40x125xi32, #tpu.memory_space<vmem>>) target_semaphore(%run_scoped3A : memref<!tpu.dma_semaphore, #tpu.memory_space<semaphore_mem>>)
      %dma_wait3A = arith.constant 0 : i32
      %dma_wait3A_88 = arith.constant 0 : i32
      %dma_wait3A_89 = tpu.memref_slice %arg3[%add3A, %dma_wait3A, %dma_wait3A_88] : memref<32x80x125xi32, #tpu.memory_space<hbm>> -> memref<1x40x125xi32, #tpu.memory_space<hbm>>
      %dma_wait3A_90 = tpu.memref_squeeze %dma_wait3A_89 : memref<1x40x125xi32, #tpu.memory_space<hbm>> -> memref<40x125xi32, #tpu.memory_space<hbm>>
      %dma_wait3A_91 = arith.constant 0 : i32
      %dma_wait3A_92 = arith.constant 0 : i32
      %dma_wait3A_93 = tpu.memref_slice %arg3[%add3A, %dma_wait3A_91, %dma_wait3A_92] : memref<32x80x125xi32, #tpu.memory_space<hbm>> -> memref<1x40x125xi32, #tpu.memory_space<hbm>>
      %dma_wait3A_94 = tpu.memref_squeeze %dma_wait3A_93 : memref<1x40x125xi32, #tpu.memory_space<hbm>> -> memref<40x125xi32, #tpu.memory_space<hbm>>
      tpu.wait_dma2 semaphore(%run_scoped3A : memref<!tpu.dma_semaphore, #tpu.memory_space<semaphore_mem>>) src(%dma_wait3A_94 : memref<40x125xi32, #tpu.memory_space<hbm>>) dst(%arg7 : memref<40x125xi32, #tpu.memory_space<vmem>>)
      tpu.yield
    }) : () -> ()
    "tpu.region"() ({
      %run_scoped3A = tpu.sem_alloc : memref<!tpu.dma_semaphore, #tpu.memory_space<semaphore_mem>>
      %dma_start3A_80 = arith.constant 0 : i32
      %dma_start3A_81 = arith.constant 0 : i32
      %dma_start3A_82 = tpu.memref_slice %arg4[%add3A, %dma_start3A_80, %dma_start3A_81] : memref<32x80x125xi32, #tpu.memory_space<hbm>> -> memref<1x40x125xi32, #tpu.memory_space<hbm>>
      %dma_start3A_83 = tpu.memref_squeeze %dma_start3A_82 : memref<1x40x125xi32, #tpu.memory_space<hbm>> -> memref<40x125xi32, #tpu.memory_space<hbm>>
      %dma_start3A_84 = arith.constant 0 : i32
      %dma_start3A_85 = arith.constant 0 : i32
      %dma_start3A_86 = tpu.memref_slice %arg4[%add3A, %dma_start3A_84, %dma_start3A_85] : memref<32x80x125xi32, #tpu.memory_space<hbm>> -> memref<1x40x125xi32, #tpu.memory_space<hbm>>
      %dma_start3A_87 = tpu.memref_squeeze %dma_start3A_86 : memref<1x40x125xi32, #tpu.memory_space<hbm>> -> memref<40x125xi32, #tpu.memory_space<hbm>>
      tpu.enqueue_dma source(%dma_start3A_87 : memref<40x125xi32, #tpu.memory_space<hbm>>) target(%arg8 : memref<40x125xi32, #tpu.memory_space<vmem>>) target_semaphore(%run_scoped3A : memref<!tpu.dma_semaphore, #tpu.memory_space<semaphore_mem>>)
      %dma_wait3A = arith.constant 0 : i32
      %dma_wait3A_88 = arith.constant 0 : i32
      %dma_wait3A_89 = tpu.memref_slice %arg4[%add3A, %dma_wait3A, %dma_wait3A_88] : memref<32x80x125xi32, #tpu.memory_space<hbm>> -> memref<1x40x125xi32, #tpu.memory_space<hbm>>
      %dma_wait3A_90 = tpu.memref_squeeze %dma_wait3A_89 : memref<1x40x125xi32, #tpu.memory_space<hbm>> -> memref<40x125xi32, #tpu.memory_space<hbm>>
      %dma_wait3A_91 = arith.constant 0 : i32
      %dma_wait3A_92 = arith.constant 0 : i32
      %dma_wait3A_93 = tpu.memref_slice %arg4[%add3A, %dma_wait3A_91, %dma_wait3A_92] : memref<32x80x125xi32, #tpu.memory_space<hbm>> -> memref<1x40x125xi32, #tpu.memory_space<hbm>>
      %dma_wait3A_94 = tpu.memref_squeeze %dma_wait3A_93 : memref<1x40x125xi32, #tpu.memory_space<hbm>> -> memref<40x125xi32, #tpu.memory_space<hbm>>
      tpu.wait_dma2 semaphore(%run_scoped3A : memref<!tpu.dma_semaphore, #tpu.memory_space<semaphore_mem>>) src(%dma_wait3A_94 : memref<40x125xi32, #tpu.memory_space<hbm>>) dst(%arg8 : memref<40x125xi32, #tpu.memory_space<vmem>>)
      tpu.yield
    }) : () -> ()
    %dma_start3A = arith.constant 0 : i32
    %dma_start3A_9 = arith.constant 0 : i32
    %dma_start3A_10 = arith.constant 0 : i32
    %dma_start3A_11 = arith.constant 0 : i32
    %dma_start3A_12 = arith.constant 0 : i32
    %dma_start3A_13 = tpu.memref_slice %arg9[%dma_start3A_9, %dma_start3A_11, %dma_start3A_12] : memref<2x125x128xf32, #tpu.memory_space<vmem>> -> memref<1x125x128xf32, #tpu.memory_space<vmem>>
    %dma_start3A_14 = tpu.memref_squeeze %dma_start3A_13 : memref<1x125x128xf32, #tpu.memory_space<vmem>> -> memref<125x128xf32, #tpu.memory_space<vmem>>
    %dma_start3A_15 = arith.constant 0 : i32
    %dma_start3A_16 = tpu.memref_slice %arg7[%dma_start3A, %dma_start3A_15] : memref<40x125xi32, #tpu.memory_space<vmem>> -> memref<1x125xi32, #tpu.memory_space<vmem>>
    %dma_start3A_17 = tpu.memref_squeeze %dma_start3A_16 : memref<1x125xi32, #tpu.memory_space<vmem>> -> memref<125xi32, #tpu.memory_space<vmem>>
    %dma_start3A_18 = arith.constant 0 : i32
    %dma_start3A_19 = arith.constant 0 : i32
    %dma_start3A_20 = tpu.memref_slice %arg2[%dma_start3A_18, %dma_start3A_19] : memref<10112x128xf32, #tpu.memory_space<hbm>> -> memref<10112x128xf32, #tpu.memory_space<hbm>>
    %dma_start3A_21 = tpu.memref_slice %arg11[%dma_start3A_10] : memref<2x!tpu.dma_semaphore, #tpu.memory_space<semaphore_mem>> -> memref<1x!tpu.dma_semaphore, #tpu.memory_space<semaphore_mem>>
    %dma_start3A_22 = tpu.memref_squeeze %dma_start3A_21 : memref<1x!tpu.dma_semaphore, #tpu.memory_space<semaphore_mem>> -> memref<!tpu.dma_semaphore, #tpu.memory_space<semaphore_mem>>
    tpu.enqueue_indirect_dma source(%dma_start3A_20 : memref<10112x128xf32, #tpu.memory_space<hbm>>) target(%dma_start3A_14 : memref<125x128xf32, #tpu.memory_space<vmem>>) offsets(%dma_start3A_17 : memref<125xi32, #tpu.memory_space<vmem>>) semaphore(%dma_start3A_22 : memref<!tpu.dma_semaphore, #tpu.memory_space<semaphore_mem>>)
    %dma_start3A_23 = arith.constant 1 : i32
    %dma_start3A_24 = arith.constant 1 : i32
    %dma_start3A_25 = arith.constant 1 : i32
    %dma_start3A_26 = arith.constant 0 : i32
    %dma_start3A_27 = arith.constant 0 : i32
    %dma_start3A_28 = tpu.memref_slice %arg9[%dma_start3A_24, %dma_start3A_26, %dma_start3A_27] : memref<2x125x128xf32, #tpu.memory_space<vmem>> -> memref<1x125x128xf32, #tpu.memory_space<vmem>>
    %dma_start3A_29 = tpu.memref_squeeze %dma_start3A_28 : memref<1x125x128xf32, #tpu.memory_space<vmem>> -> memref<125x128xf32, #tpu.memory_space<vmem>>
    %dma_start3A_30 = arith.constant 0 : i32
    %dma_start3A_31 = tpu.memref_slice %arg7[%dma_start3A_23, %dma_start3A_30] : memref<40x125xi32, #tpu.memory_space<vmem>> -> memref<1x125xi32, #tpu.memory_space<vmem>>
    %dma_start3A_32 = tpu.memref_squeeze %dma_start3A_31 : memref<1x125xi32, #tpu.memory_space<vmem>> -> memref<125xi32, #tpu.memory_space<vmem>>
    %dma_start3A_33 = arith.constant 0 : i32
    %dma_start3A_34 = arith.constant 0 : i32
    %dma_start3A_35 = tpu.memref_slice %arg2[%dma_start3A_33, %dma_start3A_34] : memref<10112x128xf32, #tpu.memory_space<hbm>> -> memref<10112x128xf32, #tpu.memory_space<hbm>>
    %dma_start3A_36 = tpu.memref_slice %arg11[%dma_start3A_25] : memref<2x!tpu.dma_semaphore, #tpu.memory_space<semaphore_mem>> -> memref<1x!tpu.dma_semaphore, #tpu.memory_space<semaphore_mem>>
    %dma_start3A_37 = tpu.memref_squeeze %dma_start3A_36 : memref<1x!tpu.dma_semaphore, #tpu.memory_space<semaphore_mem>> -> memref<!tpu.dma_semaphore, #tpu.memory_space<semaphore_mem>>
    tpu.enqueue_indirect_dma source(%dma_start3A_35 : memref<10112x128xf32, #tpu.memory_space<hbm>>) target(%dma_start3A_29 : memref<125x128xf32, #tpu.memory_space<vmem>>) offsets(%dma_start3A_32 : memref<125xi32, #tpu.memory_space<vmem>>) semaphore(%dma_start3A_37 : memref<!tpu.dma_semaphore, #tpu.memory_space<semaphore_mem>>)
    %scan3A = arith.constant 0 : i32
    %scan3A_38 = arith.constant 0 : i32
    %scan3A_39 = arith.constant 40 : i32
    %scan3A_40 = arith.addi %scan3A_38, %scan3A_39 : i32
    %scan3A_41 = arith.constant 1 : i32
    scf.for %scan3A_80 = %scan3A_38 to %scan3A_40 step %scan3A_41  : i32 {
      %rem3A = arith.constant 2 : i32
      %rem3A_81 = arith.remsi %scan3A_80, %rem3A : i32
      %dma_wait3A = arith.constant 0 : i32
      %dma_wait3A_82 = arith.constant 0 : i32
      %dma_wait3A_83 = tpu.memref_slice %arg9[%rem3A_81, %dma_wait3A, %dma_wait3A_82] : memref<2x125x128xf32, #tpu.memory_space<vmem>> -> memref<1x125x128xf32, #tpu.memory_space<vmem>>
      %dma_wait3A_84 = tpu.memref_squeeze %dma_wait3A_83 : memref<1x125x128xf32, #tpu.memory_space<vmem>> -> memref<125x128xf32, #tpu.memory_space<vmem>>
      %dma_wait3A_85 = arith.constant 0 : i32
      %dma_wait3A_86 = tpu.memref_slice %arg7[%scan3A_80, %dma_wait3A_85] : memref<40x125xi32, #tpu.memory_space<vmem>> -> memref<1x125xi32, #tpu.memory_space<vmem>>
      %dma_wait3A_87 = tpu.memref_squeeze %dma_wait3A_86 : memref<1x125xi32, #tpu.memory_space<vmem>> -> memref<125xi32, #tpu.memory_space<vmem>>
      %dma_wait3A_88 = arith.constant 0 : i32
      %dma_wait3A_89 = arith.constant 0 : i32
      %dma_wait3A_90 = tpu.memref_slice %arg2[%dma_wait3A_88, %dma_wait3A_89] : memref<10112x128xf32, #tpu.memory_space<hbm>> -> memref<10112x128xf32, #tpu.memory_space<hbm>>
      %dma_wait3A_91 = tpu.memref_slice %arg11[%rem3A_81] : memref<2x!tpu.dma_semaphore, #tpu.memory_space<semaphore_mem>> -> memref<1x!tpu.dma_semaphore, #tpu.memory_space<semaphore_mem>>
      %dma_wait3A_92 = tpu.memref_squeeze %dma_wait3A_91 : memref<1x!tpu.dma_semaphore, #tpu.memory_space<semaphore_mem>> -> memref<!tpu.dma_semaphore, #tpu.memory_space<semaphore_mem>>
      tpu.wait_indirect_dma semaphore(%dma_wait3A_92 : memref<!tpu.dma_semaphore, #tpu.memory_space<semaphore_mem>>) src(%dma_wait3A_90 : memref<10112x128xf32, #tpu.memory_space<hbm>>) dst(%dma_wait3A_84 : memref<125x128xf32, #tpu.memory_space<vmem>>)
      "tpu.region"() ({
        %run_scoped3A = tpu.sem_alloc : memref<!tpu.dma_semaphore, #tpu.memory_space<semaphore_mem>>
        %dma_start3A_99 = arith.constant 0 : i32
        %dma_start3A_100 = arith.constant 0 : i32
        %dma_start3A_101 = tpu.memref_slice %arg9[%rem3A_81, %dma_start3A_99, %dma_start3A_100] : memref<2x125x128xf32, #tpu.memory_space<vmem>> -> memref<1x125x128xf32, #tpu.memory_space<vmem>>
        %dma_start3A_102 = tpu.memref_squeeze %dma_start3A_101 : memref<1x125x128xf32, #tpu.memory_space<vmem>> -> memref<125x128xf32, #tpu.memory_space<vmem>>
        %dma_start3A_103 = arith.constant 0 : i32
        %dma_start3A_104 = tpu.memref_slice %arg8[%scan3A_80, %dma_start3A_103] : memref<40x125xi32, #tpu.memory_space<vmem>> -> memref<1x125xi32, #tpu.memory_space<vmem>>
        %dma_start3A_105 = tpu.memref_squeeze %dma_start3A_104 : memref<1x125xi32, #tpu.memory_space<vmem>> -> memref<125xi32, #tpu.memory_space<vmem>>
        %dma_start3A_106 = arith.constant 0 : i32
        %dma_start3A_107 = arith.constant 0 : i32
        %dma_start3A_108 = tpu.memref_slice %arg10[%dma_start3A_106, %dma_start3A_107] : memref<10112x128xf32, #tpu.memory_space<vmem_shared>> -> memref<10112x128xf32, #tpu.memory_space<vmem_shared>>
        tpu.enqueue_indirect_dma source(%dma_start3A_102 : memref<125x128xf32, #tpu.memory_space<vmem>>) target(%dma_start3A_108 : memref<10112x128xf32, #tpu.memory_space<vmem_shared>>) offsets(%dma_start3A_105 : memref<125xi32, #tpu.memory_space<vmem>>) semaphore(%run_scoped3A : memref<!tpu.dma_semaphore, #tpu.memory_space<semaphore_mem>>) {add = true}
        %dma_wait3A_109 = arith.constant 0 : i32
        %dma_wait3A_110 = arith.constant 0 : i32
        %dma_wait3A_111 = tpu.memref_slice %arg9[%rem3A_81, %dma_wait3A_109, %dma_wait3A_110] : memref<2x125x128xf32, #tpu.memory_space<vmem>> -> memref<1x125x128xf32, #tpu.memory_space<vmem>>
        %dma_wait3A_112 = tpu.memref_squeeze %dma_wait3A_111 : memref<1x125x128xf32, #tpu.memory_space<vmem>> -> memref<125x128xf32, #tpu.memory_space<vmem>>
        %dma_wait3A_113 = arith.constant 0 : i32
        %dma_wait3A_114 = tpu.memref_slice %arg8[%scan3A_80, %dma_wait3A_113] : memref<40x125xi32, #tpu.memory_space<vmem>> -> memref<1x125xi32, #tpu.memory_space<vmem>>
        %dma_wait3A_115 = tpu.memref_squeeze %dma_wait3A_114 : memref<1x125xi32, #tpu.memory_space<vmem>> -> memref<125xi32, #tpu.memory_space<vmem>>
        %dma_wait3A_116 = arith.constant 0 : i32
        %dma_wait3A_117 = arith.constant 0 : i32
        %dma_wait3A_118 = tpu.memref_slice %arg10[%dma_wait3A_116, %dma_wait3A_117] : memref<10112x128xf32, #tpu.memory_space<vmem_shared>> -> memref<10112x128xf32, #tpu.memory_space<vmem_shared>>
        tpu.wait_indirect_dma semaphore(%run_scoped3A : memref<!tpu.dma_semaphore, #tpu.memory_space<semaphore_mem>>) src(%dma_wait3A_112 : memref<125x128xf32, #tpu.memory_space<vmem>>) dst(%dma_wait3A_118 : memref<10112x128xf32, #tpu.memory_space<vmem_shared>>)
        tpu.yield
      }) : () -> ()
      %add3A_93 = arith.constant 2 : i32
      %add3A_94 = arith.addi %scan3A_80, %add3A_93 : i32
      %lt3A = arith.constant 40 : i32
      %lt3A_95 = arith.cmpi slt, %add3A_94, %lt3A : i32
      %convert_element_type3A_96 = arith.extui %lt3A_95 : i1 to i32
      %cond3A_97 = arith.constant 0 : i32
      %cond3A_98 = arith.cmpi ne, %convert_element_type3A_96, %cond3A_97 : i32
      scf.if %cond3A_98 {
        %add3A_99 = arith.constant 2 : i32
        %add3A_100 = arith.addi %scan3A_80, %add3A_99 : i32
        %dma_start3A_101 = arith.constant 0 : i32
        %dma_start3A_102 = arith.constant 0 : i32
        %dma_start3A_103 = tpu.memref_slice %arg9[%rem3A_81, %dma_start3A_101, %dma_start3A_102] : memref<2x125x128xf32, #tpu.memory_space<vmem>> -> memref<1x125x128xf32, #tpu.memory_space<vmem>>
        %dma_start3A_104 = tpu.memref_squeeze %dma_start3A_103 : memref<1x125x128xf32, #tpu.memory_space<vmem>> -> memref<125x128xf32, #tpu.memory_space<vmem>>
        %dma_start3A_105 = arith.constant 0 : i32
        %dma_start3A_106 = tpu.memref_slice %arg7[%add3A_100, %dma_start3A_105] : memref<40x125xi32, #tpu.memory_space<vmem>> -> memref<1x125xi32, #tpu.memory_space<vmem>>
        %dma_start3A_107 = tpu.memref_squeeze %dma_start3A_106 : memref<1x125xi32, #tpu.memory_space<vmem>> -> memref<125xi32, #tpu.memory_space<vmem>>
        %dma_start3A_108 = arith.constant 0 : i32
        %dma_start3A_109 = arith.constant 0 : i32
        %dma_start3A_110 = tpu.memref_slice %arg2[%dma_start3A_108, %dma_start3A_109] : memref<10112x128xf32, #tpu.memory_space<hbm>> -> memref<10112x128xf32, #tpu.memory_space<hbm>>
        %dma_start3A_111 = tpu.memref_slice %arg11[%rem3A_81] : memref<2x!tpu.dma_semaphore, #tpu.memory_space<semaphore_mem>> -> memref<1x!tpu.dma_semaphore, #tpu.memory_space<semaphore_mem>>
        %dma_start3A_112 = tpu.memref_squeeze %dma_start3A_111 : memref<1x!tpu.dma_semaphore, #tpu.memory_space<semaphore_mem>> -> memref<!tpu.dma_semaphore, #tpu.memory_space<semaphore_mem>>
        tpu.enqueue_indirect_dma source(%dma_start3A_110 : memref<10112x128xf32, #tpu.memory_space<hbm>>) target(%dma_start3A_104 : memref<125x128xf32, #tpu.memory_space<vmem>>) offsets(%dma_start3A_107 : memref<125xi32, #tpu.memory_space<vmem>>) semaphore(%dma_start3A_112 : memref<!tpu.dma_semaphore, #tpu.memory_space<semaphore_mem>>)
      } else {
      }
    }
    %scan3A_42 = arith.constant 40 : i32
    "tpu.region"() ({
      %run_scoped3A = tpu.sem_alloc : memref<!tpu.dma_semaphore, #tpu.memory_space<semaphore_mem>>
      %dma_start3A_80 = arith.constant 40 : i32
      %dma_start3A_81 = arith.constant 0 : i32
      %dma_start3A_82 = tpu.memref_slice %arg3[%add3A, %dma_start3A_80, %dma_start3A_81] : memref<32x80x125xi32, #tpu.memory_space<hbm>> -> memref<1x40x125xi32, #tpu.memory_space<hbm>>
      %dma_start3A_83 = tpu.memref_squeeze %dma_start3A_82 : memref<1x40x125xi32, #tpu.memory_space<hbm>> -> memref<40x125xi32, #tpu.memory_space<hbm>>
      %dma_start3A_84 = arith.constant 40 : i32
      %dma_start3A_85 = arith.constant 0 : i32
      %dma_start3A_86 = tpu.memref_slice %arg3[%add3A, %dma_start3A_84, %dma_start3A_85] : memref<32x80x125xi32, #tpu.memory_space<hbm>> -> memref<1x40x125xi32, #tpu.memory_space<hbm>>
      %dma_start3A_87 = tpu.memref_squeeze %dma_start3A_86 : memref<1x40x125xi32, #tpu.memory_space<hbm>> -> memref<40x125xi32, #tpu.memory_space<hbm>>
      tpu.enqueue_dma source(%dma_start3A_87 : memref<40x125xi32, #tpu.memory_space<hbm>>) target(%arg7 : memref<40x125xi32, #tpu.memory_space<vmem>>) target_semaphore(%run_scoped3A : memref<!tpu.dma_semaphore, #tpu.memory_space<semaphore_mem>>)
      %dma_wait3A = arith.constant 40 : i32
      %dma_wait3A_88 = arith.constant 0 : i32
      %dma_wait3A_89 = tpu.memref_slice %arg3[%add3A, %dma_wait3A, %dma_wait3A_88] : memref<32x80x125xi32, #tpu.memory_space<hbm>> -> memref<1x40x125xi32, #tpu.memory_space<hbm>>
      %dma_wait3A_90 = tpu.memref_squeeze %dma_wait3A_89 : memref<1x40x125xi32, #tpu.memory_space<hbm>> -> memref<40x125xi32, #tpu.memory_space<hbm>>
      %dma_wait3A_91 = arith.constant 40 : i32
      %dma_wait3A_92 = arith.constant 0 : i32
      %dma_wait3A_93 = tpu.memref_slice %arg3[%add3A, %dma_wait3A_91, %dma_wait3A_92] : memref<32x80x125xi32, #tpu.memory_space<hbm>> -> memref<1x40x125xi32, #tpu.memory_space<hbm>>
      %dma_wait3A_94 = tpu.memref_squeeze %dma_wait3A_93 : memref<1x40x125xi32, #tpu.memory_space<hbm>> -> memref<40x125xi32, #tpu.memory_space<hbm>>
      tpu.wait_dma2 semaphore(%run_scoped3A : memref<!tpu.dma_semaphore, #tpu.memory_space<semaphore_mem>>) src(%dma_wait3A_94 : memref<40x125xi32, #tpu.memory_space<hbm>>) dst(%arg7 : memref<40x125xi32, #tpu.memory_space<vmem>>)
      tpu.yield
    }) : () -> ()
    "tpu.region"() ({
      %run_scoped3A = tpu.sem_alloc : memref<!tpu.dma_semaphore, #tpu.memory_space<semaphore_mem>>
      %dma_start3A_80 = arith.constant 40 : i32
      %dma_start3A_81 = arith.constant 0 : i32
      %dma_start3A_82 = tpu.memref_slice %arg4[%add3A, %dma_start3A_80, %dma_start3A_81] : memref<32x80x125xi32, #tpu.memory_space<hbm>> -> memref<1x40x125xi32, #tpu.memory_space<hbm>>
      %dma_start3A_83 = tpu.memref_squeeze %dma_start3A_82 : memref<1x40x125xi32, #tpu.memory_space<hbm>> -> memref<40x125xi32, #tpu.memory_space<hbm>>
      %dma_start3A_84 = arith.constant 40 : i32
      %dma_start3A_85 = arith.constant 0 : i32
      %dma_start3A_86 = tpu.memref_slice %arg4[%add3A, %dma_start3A_84, %dma_start3A_85] : memref<32x80x125xi32, #tpu.memory_space<hbm>> -> memref<1x40x125xi32, #tpu.memory_space<hbm>>
      %dma_start3A_87 = tpu.memref_squeeze %dma_start3A_86 : memref<1x40x125xi32, #tpu.memory_space<hbm>> -> memref<40x125xi32, #tpu.memory_space<hbm>>
      tpu.enqueue_dma source(%dma_start3A_87 : memref<40x125xi32, #tpu.memory_space<hbm>>) target(%arg8 : memref<40x125xi32, #tpu.memory_space<vmem>>) target_semaphore(%run_scoped3A : memref<!tpu.dma_semaphore, #tpu.memory_space<semaphore_mem>>)
      %dma_wait3A = arith.constant 40 : i32
      %dma_wait3A_88 = arith.constant 0 : i32
      %dma_wait3A_89 = tpu.memref_slice %arg4[%add3A, %dma_wait3A, %dma_wait3A_88] : memref<32x80x125xi32, #tpu.memory_space<hbm>> -> memref<1x40x125xi32, #tpu.memory_space<hbm>>
      %dma_wait3A_90 = tpu.memref_squeeze %dma_wait3A_89 : memref<1x40x125xi32, #tpu.memory_space<hbm>> -> memref<40x125xi32, #tpu.memory_space<hbm>>
      %dma_wait3A_91 = arith.constant 40 : i32
      %dma_wait3A_92 = arith.constant 0 : i32
      %dma_wait3A_93 = tpu.memref_slice %arg4[%add3A, %dma_wait3A_91, %dma_wait3A_92] : memref<32x80x125xi32, #tpu.memory_space<hbm>> -> memref<1x40x125xi32, #tpu.memory_space<hbm>>
      %dma_wait3A_94 = tpu.memref_squeeze %dma_wait3A_93 : memref<1x40x125xi32, #tpu.memory_space<hbm>> -> memref<40x125xi32, #tpu.memory_space<hbm>>
      tpu.wait_dma2 semaphore(%run_scoped3A : memref<!tpu.dma_semaphore, #tpu.memory_space<semaphore_mem>>) src(%dma_wait3A_94 : memref<40x125xi32, #tpu.memory_space<hbm>>) dst(%arg8 : memref<40x125xi32, #tpu.memory_space<vmem>>)
      tpu.yield
    }) : () -> ()
    %dma_start3A_43 = arith.constant 0 : i32
    %dma_start3A_44 = arith.constant 0 : i32
    %dma_start3A_45 = arith.constant 0 : i32
    %dma_start3A_46 = arith.constant 0 : i32
    %dma_start3A_47 = arith.constant 0 : i32
    %dma_start3A_48 = tpu.memref_slice %arg9[%dma_start3A_44, %dma_start3A_46, %dma_start3A_47] : memref<2x125x128xf32, #tpu.memory_space<vmem>> -> memref<1x125x128xf32, #tpu.memory_space<vmem>>
    %dma_start3A_49 = tpu.memref_squeeze %dma_start3A_48 : memref<1x125x128xf32, #tpu.memory_space<vmem>> -> memref<125x128xf32, #tpu.memory_space<vmem>>
    %dma_start3A_50 = arith.constant 0 : i32
    %dma_start3A_51 = tpu.memref_slice %arg7[%dma_start3A_43, %dma_start3A_50] : memref<40x125xi32, #tpu.memory_space<vmem>> -> memref<1x125xi32, #tpu.memory_space<vmem>>
    %dma_start3A_52 = tpu.memref_squeeze %dma_start3A_51 : memref<1x125xi32, #tpu.memory_space<vmem>> -> memref<125xi32, #tpu.memory_space<vmem>>
    %dma_start3A_53 = arith.constant 0 : i32
    %dma_start3A_54 = arith.constant 0 : i32
    %dma_start3A_55 = tpu.memref_slice %arg2[%dma_start3A_53, %dma_start3A_54] : memref<10112x128xf32, #tpu.memory_space<hbm>> -> memref<10112x128xf32, #tpu.memory_space<hbm>>
    %dma_start3A_56 = tpu.memref_slice %arg11[%dma_start3A_45] : memref<2x!tpu.dma_semaphore, #tpu.memory_space<semaphore_mem>> -> memref<1x!tpu.dma_semaphore, #tpu.memory_space<semaphore_mem>>
    %dma_start3A_57 = tpu.memref_squeeze %dma_start3A_56 : memref<1x!tpu.dma_semaphore, #tpu.memory_space<semaphore_mem>> -> memref<!tpu.dma_semaphore, #tpu.memory_space<semaphore_mem>>
    tpu.enqueue_indirect_dma source(%dma_start3A_55 : memref<10112x128xf32, #tpu.memory_space<hbm>>) target(%dma_start3A_49 : memref<125x128xf32, #tpu.memory_space<vmem>>) offsets(%dma_start3A_52 : memref<125xi32, #tpu.memory_space<vmem>>) semaphore(%dma_start3A_57 : memref<!tpu.dma_semaphore, #tpu.memory_space<semaphore_mem>>)
    %dma_start3A_58 = arith.constant 1 : i32
    %dma_start3A_59 = arith.constant 1 : i32
    %dma_start3A_60 = arith.constant 1 : i32
    %dma_start3A_61 = arith.constant 0 : i32
    %dma_start3A_62 = arith.constant 0 : i32
    %dma_start3A_63 = tpu.memref_slice %arg9[%dma_start3A_59, %dma_start3A_61, %dma_start3A_62] : memref<2x125x128xf32, #tpu.memory_space<vmem>> -> memref<1x125x128xf32, #tpu.memory_space<vmem>>
    %dma_start3A_64 = tpu.memref_squeeze %dma_start3A_63 : memref<1x125x128xf32, #tpu.memory_space<vmem>> -> memref<125x128xf32, #tpu.memory_space<vmem>>
    %dma_start3A_65 = arith.constant 0 : i32
    %dma_start3A_66 = tpu.memref_slice %arg7[%dma_start3A_58, %dma_start3A_65] : memref<40x125xi32, #tpu.memory_space<vmem>> -> memref<1x125xi32, #tpu.memory_space<vmem>>
    %dma_start3A_67 = tpu.memref_squeeze %dma_start3A_66 : memref<1x125xi32, #tpu.memory_space<vmem>> -> memref<125xi32, #tpu.memory_space<vmem>>
    %dma_start3A_68 = arith.constant 0 : i32
    %dma_start3A_69 = arith.constant 0 : i32
    %dma_start3A_70 = tpu.memref_slice %arg2[%dma_start3A_68, %dma_start3A_69] : memref<10112x128xf32, #tpu.memory_space<hbm>> -> memref<10112x128xf32, #tpu.memory_space<hbm>>
    %dma_start3A_71 = tpu.memref_slice %arg11[%dma_start3A_60] : memref<2x!tpu.dma_semaphore, #tpu.memory_space<semaphore_mem>> -> memref<1x!tpu.dma_semaphore, #tpu.memory_space<semaphore_mem>>
    %dma_start3A_72 = tpu.memref_squeeze %dma_start3A_71 : memref<1x!tpu.dma_semaphore, #tpu.memory_space<semaphore_mem>> -> memref<!tpu.dma_semaphore, #tpu.memory_space<semaphore_mem>>
    tpu.enqueue_indirect_dma source(%dma_start3A_70 : memref<10112x128xf32, #tpu.memory_space<hbm>>) target(%dma_start3A_64 : memref<125x128xf32, #tpu.memory_space<vmem>>) offsets(%dma_start3A_67 : memref<125xi32, #tpu.memory_space<vmem>>) semaphore(%dma_start3A_72 : memref<!tpu.dma_semaphore, #tpu.memory_space<semaphore_mem>>)
    %scan3A_73 = arith.constant 0 : i32
    %scan3A_74 = arith.constant 0 : i32
    %scan3A_75 = arith.constant 40 : i32
    %scan3A_76 = arith.addi %scan3A_74, %scan3A_75 : i32
    %scan3A_77 = arith.constant 1 : i32
    scf.for %scan3A_80 = %scan3A_74 to %scan3A_76 step %scan3A_77  : i32 {
      %rem3A = arith.constant 2 : i32
      %rem3A_81 = arith.remsi %scan3A_80, %rem3A : i32
      %dma_wait3A = arith.constant 0 : i32
      %dma_wait3A_82 = arith.constant 0 : i32
      %dma_wait3A_83 = tpu.memref_slice %arg9[%rem3A_81, %dma_wait3A, %dma_wait3A_82] : memref<2x125x128xf32, #tpu.memory_space<vmem>> -> memref<1x125x128xf32, #tpu.memory_space<vmem>>
      %dma_wait3A_84 = tpu.memref_squeeze %dma_wait3A_83 : memref<1x125x128xf32, #tpu.memory_space<vmem>> -> memref<125x128xf32, #tpu.memory_space<vmem>>
      %dma_wait3A_85 = arith.constant 0 : i32
      %dma_wait3A_86 = tpu.memref_slice %arg7[%scan3A_80, %dma_wait3A_85] : memref<40x125xi32, #tpu.memory_space<vmem>> -> memref<1x125xi32, #tpu.memory_space<vmem>>
      %dma_wait3A_87 = tpu.memref_squeeze %dma_wait3A_86 : memref<1x125xi32, #tpu.memory_space<vmem>> -> memref<125xi32, #tpu.memory_space<vmem>>
      %dma_wait3A_88 = arith.constant 0 : i32
      %dma_wait3A_89 = arith.constant 0 : i32
      %dma_wait3A_90 = tpu.memref_slice %arg2[%dma_wait3A_88, %dma_wait3A_89] : memref<10112x128xf32, #tpu.memory_space<hbm>> -> memref<10112x128xf32, #tpu.memory_space<hbm>>
      %dma_wait3A_91 = tpu.memref_slice %arg11[%rem3A_81] : memref<2x!tpu.dma_semaphore, #tpu.memory_space<semaphore_mem>> -> memref<1x!tpu.dma_semaphore, #tpu.memory_space<semaphore_mem>>
      %dma_wait3A_92 = tpu.memref_squeeze %dma_wait3A_91 : memref<1x!tpu.dma_semaphore, #tpu.memory_space<semaphore_mem>> -> memref<!tpu.dma_semaphore, #tpu.memory_space<semaphore_mem>>
      tpu.wait_indirect_dma semaphore(%dma_wait3A_92 : memref<!tpu.dma_semaphore, #tpu.memory_space<semaphore_mem>>) src(%dma_wait3A_90 : memref<10112x128xf32, #tpu.memory_space<hbm>>) dst(%dma_wait3A_84 : memref<125x128xf32, #tpu.memory_space<vmem>>)
      "tpu.region"() ({
        %run_scoped3A = tpu.sem_alloc : memref<!tpu.dma_semaphore, #tpu.memory_space<semaphore_mem>>
        %dma_start3A_99 = arith.constant 0 : i32
        %dma_start3A_100 = arith.constant 0 : i32
        %dma_start3A_101 = tpu.memref_slice %arg9[%rem3A_81, %dma_start3A_99, %dma_start3A_100] : memref<2x125x128xf32, #tpu.memory_space<vmem>> -> memref<1x125x128xf32, #tpu.memory_space<vmem>>
        %dma_start3A_102 = tpu.memref_squeeze %dma_start3A_101 : memref<1x125x128xf32, #tpu.memory_space<vmem>> -> memref<125x128xf32, #tpu.memory_space<vmem>>
        %dma_start3A_103 = arith.constant 0 : i32
        %dma_start3A_104 = tpu.memref_slice %arg8[%scan3A_80, %dma_start3A_103] : memref<40x125xi32, #tpu.memory_space<vmem>> -> memref<1x125xi32, #tpu.memory_space<vmem>>
        %dma_start3A_105 = tpu.memref_squeeze %dma_start3A_104 : memref<1x125xi32, #tpu.memory_space<vmem>> -> memref<125xi32, #tpu.memory_space<vmem>>
        %dma_start3A_106 = arith.constant 0 : i32
        %dma_start3A_107 = arith.constant 0 : i32
        %dma_start3A_108 = tpu.memref_slice %arg10[%dma_start3A_106, %dma_start3A_107] : memref<10112x128xf32, #tpu.memory_space<vmem_shared>> -> memref<10112x128xf32, #tpu.memory_space<vmem_shared>>
        tpu.enqueue_indirect_dma source(%dma_start3A_102 : memref<125x128xf32, #tpu.memory_space<vmem>>) target(%dma_start3A_108 : memref<10112x128xf32, #tpu.memory_space<vmem_shared>>) offsets(%dma_start3A_105 : memref<125xi32, #tpu.memory_space<vmem>>) semaphore(%run_scoped3A : memref<!tpu.dma_semaphore, #tpu.memory_space<semaphore_mem>>) {add = true}
        %dma_wait3A_109 = arith.constant 0 : i32
        %dma_wait3A_110 = arith.constant 0 : i32
        %dma_wait3A_111 = tpu.memref_slice %arg9[%rem3A_81, %dma_wait3A_109, %dma_wait3A_110] : memref<2x125x128xf32, #tpu.memory_space<vmem>> -> memref<1x125x128xf32, #tpu.memory_space<vmem>>
        %dma_wait3A_112 = tpu.memref_squeeze %dma_wait3A_111 : memref<1x125x128xf32, #tpu.memory_space<vmem>> -> memref<125x128xf32, #tpu.memory_space<vmem>>
        %dma_wait3A_113 = arith.constant 0 : i32
        %dma_wait3A_114 = tpu.memref_slice %arg8[%scan3A_80, %dma_wait3A_113] : memref<40x125xi32, #tpu.memory_space<vmem>> -> memref<1x125xi32, #tpu.memory_space<vmem>>
        %dma_wait3A_115 = tpu.memref_squeeze %dma_wait3A_114 : memref<1x125xi32, #tpu.memory_space<vmem>> -> memref<125xi32, #tpu.memory_space<vmem>>
        %dma_wait3A_116 = arith.constant 0 : i32
        %dma_wait3A_117 = arith.constant 0 : i32
        %dma_wait3A_118 = tpu.memref_slice %arg10[%dma_wait3A_116, %dma_wait3A_117] : memref<10112x128xf32, #tpu.memory_space<vmem_shared>> -> memref<10112x128xf32, #tpu.memory_space<vmem_shared>>
        tpu.wait_indirect_dma semaphore(%run_scoped3A : memref<!tpu.dma_semaphore, #tpu.memory_space<semaphore_mem>>) src(%dma_wait3A_112 : memref<125x128xf32, #tpu.memory_space<vmem>>) dst(%dma_wait3A_118 : memref<10112x128xf32, #tpu.memory_space<vmem_shared>>)
        tpu.yield
      }) : () -> ()
      %add3A_93 = arith.constant 2 : i32
      %add3A_94 = arith.addi %scan3A_80, %add3A_93 : i32
      %lt3A = arith.constant 40 : i32
      %lt3A_95 = arith.cmpi slt, %add3A_94, %lt3A : i32
      %convert_element_type3A_96 = arith.extui %lt3A_95 : i1 to i32
      %cond3A_97 = arith.constant 0 : i32
      %cond3A_98 = arith.cmpi ne, %convert_element_type3A_96, %cond3A_97 : i32
      scf.if %cond3A_98 {
        %add3A_99 = arith.constant 2 : i32
        %add3A_100 = arith.addi %scan3A_80, %add3A_99 : i32
        %dma_start3A_101 = arith.constant 0 : i32
        %dma_start3A_102 = arith.constant 0 : i32
        %dma_start3A_103 = tpu.memref_slice %arg9[%rem3A_81, %dma_start3A_101, %dma_start3A_102] : memref<2x125x128xf32, #tpu.memory_space<vmem>> -> memref<1x125x128xf32, #tpu.memory_space<vmem>>
        %dma_start3A_104 = tpu.memref_squeeze %dma_start3A_103 : memref<1x125x128xf32, #tpu.memory_space<vmem>> -> memref<125x128xf32, #tpu.memory_space<vmem>>
        %dma_start3A_105 = arith.constant 0 : i32
        %dma_start3A_106 = tpu.memref_slice %arg7[%add3A_100, %dma_start3A_105] : memref<40x125xi32, #tpu.memory_space<vmem>> -> memref<1x125xi32, #tpu.memory_space<vmem>>
        %dma_start3A_107 = tpu.memref_squeeze %dma_start3A_106 : memref<1x125xi32, #tpu.memory_space<vmem>> -> memref<125xi32, #tpu.memory_space<vmem>>
        %dma_start3A_108 = arith.constant 0 : i32
        %dma_start3A_109 = arith.constant 0 : i32
        %dma_start3A_110 = tpu.memref_slice %arg2[%dma_start3A_108, %dma_start3A_109] : memref<10112x128xf32, #tpu.memory_space<hbm>> -> memref<10112x128xf32, #tpu.memory_space<hbm>>
        %dma_start3A_111 = tpu.memref_slice %arg11[%rem3A_81] : memref<2x!tpu.dma_semaphore, #tpu.memory_space<semaphore_mem>> -> memref<1x!tpu.dma_semaphore, #tpu.memory_space<semaphore_mem>>
        %dma_start3A_112 = tpu.memref_squeeze %dma_start3A_111 : memref<1x!tpu.dma_semaphore, #tpu.memory_space<semaphore_mem>> -> memref<!tpu.dma_semaphore, #tpu.memory_space<semaphore_mem>>
        tpu.enqueue_indirect_dma source(%dma_start3A_110 : memref<10112x128xf32, #tpu.memory_space<hbm>>) target(%dma_start3A_104 : memref<125x128xf32, #tpu.memory_space<vmem>>) offsets(%dma_start3A_107 : memref<125xi32, #tpu.memory_space<vmem>>) semaphore(%dma_start3A_112 : memref<!tpu.dma_semaphore, #tpu.memory_space<semaphore_mem>>)
      } else {
      }
    }
    %scan3A_78 = arith.constant 40 : i32
    %barrier3A_79 = arith.constant 0 : index
    tpu.barrier barrier_id(%barrier3A_79)
    "tpu.region"() ({
      %run_scoped3A = tpu.sem_alloc : memref<!tpu.dma_semaphore, #tpu.memory_space<semaphore_mem>>
      %dma_start3A_80 = arith.constant 0 : i32
      %dma_start3A_81 = tpu.memref_slice %arg6[%arg0, %mul3A_2, %dma_start3A_80] : memref<2x10112x128xf32, #tpu.memory_space<hbm>> -> memref<1x632x128xf32, #tpu.memory_space<hbm>>
      %dma_start3A_82 = tpu.memref_squeeze %dma_start3A_81 : memref<1x632x128xf32, #tpu.memory_space<hbm>> -> memref<632x128xf32, #tpu.memory_space<hbm>>
      %dma_start3A_83 = arith.constant 0 : i32
      %dma_start3A_84 = tpu.memref_slice %arg10[%mul3A_2, %dma_start3A_83] : memref<10112x128xf32, #tpu.memory_space<vmem_shared>> -> memref<632x128xf32, #tpu.memory_space<vmem_shared>>
      tpu.enqueue_dma source(%dma_start3A_84 : memref<632x128xf32, #tpu.memory_space<vmem_shared>>) target(%dma_start3A_82 : memref<632x128xf32, #tpu.memory_space<hbm>>) target_semaphore(%run_scoped3A : memref<!tpu.dma_semaphore, #tpu.memory_space<semaphore_mem>>)
      %dma_wait3A = arith.constant 0 : i32
      %dma_wait3A_85 = tpu.memref_slice %arg6[%arg0, %mul3A_2, %dma_wait3A] : memref<2x10112x128xf32, #tpu.memory_space<hbm>> -> memref<1x632x128xf32, #tpu.memory_space<hbm>>
      %dma_wait3A_86 = tpu.memref_squeeze %dma_wait3A_85 : memref<1x632x128xf32, #tpu.memory_space<hbm>> -> memref<632x128xf32, #tpu.memory_space<hbm>>
      %dma_wait3A_87 = arith.constant 0 : i32
      %dma_wait3A_88 = tpu.memref_slice %arg10[%mul3A_2, %dma_wait3A_87] : memref<10112x128xf32, #tpu.memory_space<vmem_shared>> -> memref<632x128xf32, #tpu.memory_space<vmem_shared>>
      tpu.wait_dma2 semaphore(%run_scoped3A : memref<!tpu.dma_semaphore, #tpu.memory_space<semaphore_mem>>) src(%dma_wait3A_88 : memref<632x128xf32, #tpu.memory_space<vmem_shared>>) dst(%dma_wait3A_86 : memref<632x128xf32, #tpu.memory_space<hbm>>)
      tpu.yield
    }) : () -> ()
    return
  }
}

module attributes {stable_mosaic.version = 14 : i64} {
  func.func @_scale_body(%arg0: i32, %arg1: memref<1264x128xf32, #tpu.memory_space<vmem>>, %arg2: memref<1264x1xf32, #tpu.memory_space<vmem>>, %arg3: memref<1264x1xf32, #tpu.memory_space<vmem>>, %arg4: memref<1264x128xf32, #tpu.memory_space<vmem>>, %arg5: memref<1264x1xf32, #tpu.memory_space<vmem>>) attributes {dimension_semantics = [#tpu.dimension_semantics<arbitrary>], iteration_bounds = array<i64: 8>, scalar_prefetch = 0 : i64, scratch_operands = 0 : i64, tpu.core_type = #tpu.core_type<tc>, window_params = [{transform_indices = @transform_0, window_bounds = array<i64: 1264, 128>}, {transform_indices = @transform_1, window_bounds = array<i64: 1264, 1>}, {transform_indices = @transform_2, window_bounds = array<i64: 1264, 1>}, {transform_indices = @transform_3, window_bounds = array<i64: 1264, 128>}, {transform_indices = @transform_4, window_bounds = array<i64: 1264, 1>}]} {
    %get3A = arith.constant 0 : index
    %get3A_0 = arith.constant 0 : index
    %get3A_1 = vector.load %arg2[%get3A, %get3A_0] : memref<1264x1xf32, #tpu.memory_space<vmem>>, vector<1264x1xf32>
    %get3A_2 = arith.constant 0 : index
    %get3A_3 = arith.constant 0 : index
    %get3A_4 = vector.load %arg3[%get3A_2, %get3A_3] : memref<1264x1xf32, #tpu.memory_space<vmem>>, vector<1264x1xf32>
    %add3A = arith.addf %get3A_1, %get3A_4 : vector<1264x1xf32>
    %add3A_5 = arith.constant 1.000000e+00 : f32
    %add3A_6 = vector.broadcast %add3A_5 : f32 to vector<1264x1xf32>
    %add3A_7 = arith.addf %add3A, %add3A_6 : vector<1264x1xf32>
    %rsqrt3A = math.rsqrt %add3A_7 : vector<1264x1xf32>
    %get3A_8 = arith.constant 0 : index
    %get3A_9 = arith.constant 0 : index
    %get3A_10 = vector.load %arg1[%get3A_8, %get3A_9] : memref<1264x128xf32, #tpu.memory_space<vmem>>, vector<1264x128xf32>
    %mul3A = vector.broadcast %rsqrt3A : vector<1264x1xf32> to vector<1264x128xf32>
    %mul3A_11 = arith.mulf %get3A_10, %mul3A : vector<1264x128xf32>
    %swap3A = arith.constant 0 : index
    %swap3A_12 = arith.constant 0 : index
    %swap3A_13 = vector.load %arg4[%swap3A, %swap3A_12] : memref<1264x128xf32, #tpu.memory_space<vmem>>, vector<1264x128xf32>
    tpu.vector_store %arg4[%swap3A, %swap3A_12], %mul3A_11 {strides = array<i32>} : memref<1264x128xf32, #tpu.memory_space<vmem>>, vector<1264x128xf32>,
    %swap3A_14 = arith.constant 0 : index
    %swap3A_15 = arith.constant 0 : index
    %swap3A_16 = vector.load %arg5[%swap3A_14, %swap3A_15] : memref<1264x1xf32, #tpu.memory_space<vmem>>, vector<1264x1xf32>
    tpu.vector_store %arg5[%swap3A_14, %swap3A_15], %rsqrt3A {strides = array<i32>} : memref<1264x1xf32, #tpu.memory_space<vmem>>, vector<1264x1xf32>,
    return
  }
  func.func @transform_0(%arg0: i32) -> (i32, i32) {
    %c0_i32 = arith.constant 0 : i32
    %c0_i32_0 = arith.constant 0 : i32
    return %arg0, %c0_i32 : i32, i32
  }
  func.func @transform_1(%arg0: i32) -> (i32, i32) {
    %c0_i32 = arith.constant 0 : i32
    %c0_i32_0 = arith.constant 0 : i32
    return %arg0, %c0_i32 : i32, i32
  }
  func.func @transform_2(%arg0: i32) -> (i32, i32) {
    %c0_i32 = arith.constant 0 : i32
    %c0_i32_0 = arith.constant 0 : i32
    return %arg0, %c0_i32 : i32, i32
  }
  func.func @transform_3(%arg0: i32) -> (i32, i32) {
    %c0_i32 = arith.constant 0 : i32
    %c0_i32_0 = arith.constant 0 : i32
    return %arg0, %c0_i32 : i32, i32
  }
  func.func @transform_4(%arg0: i32) -> (i32, i32) {
    %c0_i32 = arith.constant 0 : i32
    %c0_i32_0 = arith.constant 0 : i32
    return %arg0, %c0_i32 : i32, i32
  }
}

module attributes {stable_mosaic.version = 14 : i64} {
  func.func @_stats_body(%arg0: i32, %arg1: memref<2x1264x128xf32, #tpu.memory_space<vmem>>, %arg2: memref<1264x1xf32, #tpu.memory_space<vmem>>, %arg3: memref<128x128xf32, #tpu.memory_space<vmem>>, %arg4: memref<1x128xf32, #tpu.memory_space<vmem>>, %arg5: memref<1264x128xf32, #tpu.memory_space<vmem>>) attributes {dimension_semantics = [#tpu.dimension_semantics<arbitrary>], iteration_bounds = array<i64: 8>, scalar_prefetch = 0 : i64, scratch_operands = 0 : i64, tpu.core_type = #tpu.core_type<tc>, window_params = [{transform_indices = @transform_0, window_bounds = array<i64: 2, 1264, 128>}, {transform_indices = @transform_1, window_bounds = array<i64: 1264, 1>}, {pipeline_mode = #tpu.pipeline_mode<synchronous>, transform_indices = @transform_2, window_bounds = array<i64: 128, 128>}, {pipeline_mode = #tpu.pipeline_mode<synchronous>, transform_indices = @transform_3, window_bounds = array<i64: 1, 128>}, {transform_indices = @transform_4, window_bounds = array<i64: 1264, 128>}]} {
    %get3A = arith.constant 0 : index
    %get3A_0 = arith.constant 0 : index
    %get3A_1 = arith.constant 0 : index
    %get3A_2 = vector.load %arg1[%get3A, %get3A_0, %get3A_1] : memref<2x1264x128xf32, #tpu.memory_space<vmem>>, vector<2x1264x128xf32>
    %slice3A = vector.extract_strided_slice %get3A_2 {offsets = [0, 0, 0], sizes = [1, 1264, 128], strides = [1, 1, 1]} : vector<2x1264x128xf32> to vector<1x1264x128xf32>
    %squeeze3A = vector.shape_cast %slice3A : vector<1x1264x128xf32> to vector<1264x128xf32>
    %slice3A_3 = vector.extract_strided_slice %get3A_2 {offsets = [1, 0, 0], sizes = [1, 1264, 128], strides = [1, 1, 1]} : vector<2x1264x128xf32> to vector<1x1264x128xf32>
    %squeeze3A_4 = vector.shape_cast %slice3A_3 : vector<1x1264x128xf32> to vector<1264x128xf32>
    %add3A = arith.addf %squeeze3A, %squeeze3A_4 : vector<1264x128xf32>
    %get3A_5 = arith.constant 0 : index
    %get3A_6 = arith.constant 0 : index
    %get3A_7 = vector.load %arg2[%get3A_5, %get3A_6] : memref<1264x1xf32, #tpu.memory_space<vmem>>, vector<1264x1xf32>
    %mul3A = vector.broadcast %get3A_7 : vector<1264x1xf32> to vector<1264x128xf32>
    %mul3A_8 = arith.mulf %add3A, %mul3A : vector<1264x128xf32>
    %mul3A_9 = arith.constant 1264 : i32
    %mul3A_10 = arith.muli %arg0, %mul3A_9 : i32
    %iota3A = tpu.iota {dimensions = array<i32: 0>} : vector<1264x1xi32>
    %add3A_11 = vector.broadcast %mul3A_10 : i32 to vector<1264x1xi32>
    %add3A_12 = arith.addi %add3A_11, %iota3A : vector<1264x1xi32>
    %lt3A = arith.constant 10000 : i32
    %lt3A_13 = vector.broadcast %lt3A : i32 to vector<1264x1xi32>
    %lt3A_14 = arith.cmpi slt, %add3A_12, %lt3A_13 : vector<1264x1xi32>
    %jit3A = arith.constant 0.000000e+00 : f32
    %broadcast_in_dim3A = vector.shape_cast %lt3A_14 : vector<1264x1xi1> to vector<1264x1xi1>
    %broadcast_in_dim3A_15 = vector.broadcast %broadcast_in_dim3A : vector<1264x1xi1> to vector<1264x128xi1>
    %broadcast_in_dim3A_16 = vector.broadcast %jit3A : f32 to vector<1264x128xf32>
    %select_n3A = arith.select %broadcast_in_dim3A_15, %mul3A_8, %broadcast_in_dim3A_16 : vector<1264x128xi1>, vector<1264x128xf32>
    %swap3A = arith.constant 0 : index
    %swap3A_17 = arith.constant 0 : index
    %swap3A_18 = vector.load %arg5[%swap3A, %swap3A_17] : memref<1264x128xf32, #tpu.memory_space<vmem>>, vector<1264x128xf32>
    tpu.vector_store %arg5[%swap3A, %swap3A_17], %select_n3A {strides = array<i32>} : memref<1264x128xf32, #tpu.memory_space<vmem>>, vector<1264x128xf32>,
    %eq3A = arith.constant 0 : i32
    %eq3A_19 = arith.cmpi eq, %arg0, %eq3A : i32
    %convert_element_type3A = arith.extui %eq3A_19 : i1 to i32
    %cond3A = arith.constant 0 : i32
    %cond3A_20 = arith.cmpi ne, %convert_element_type3A, %cond3A : i32
    scf.if %cond3A_20 {
      %broadcast_in_dim3A_38 = arith.constant 0.000000e+00 : f32
      %broadcast_in_dim3A_39 = vector.broadcast %broadcast_in_dim3A_38 : f32 to vector<128x128xf32>
      %swap3A_40 = arith.constant 0 : index
      %swap3A_41 = arith.constant 0 : index
      %swap3A_42 = vector.load %arg3[%swap3A_40, %swap3A_41] : memref<128x128xf32, #tpu.memory_space<vmem>>, vector<128x128xf32>
      tpu.vector_store %arg3[%swap3A_40, %swap3A_41], %broadcast_in_dim3A_39 {strides = array<i32>} : memref<128x128xf32, #tpu.memory_space<vmem>>, vector<128x128xf32>,
      %broadcast_in_dim3A_43 = arith.constant 0.000000e+00 : f32
      %broadcast_in_dim3A_44 = vector.broadcast %broadcast_in_dim3A_43 : f32 to vector<1x128xf32>
      %swap3A_45 = arith.constant 0 : index
      %swap3A_46 = arith.constant 0 : index
      %swap3A_47 = vector.load %arg4[%swap3A_45, %swap3A_46] : memref<1x128xf32, #tpu.memory_space<vmem>>, vector<1x128xf32>
      tpu.vector_store %arg4[%swap3A_45, %swap3A_46], %broadcast_in_dim3A_44 {strides = array<i32>} : memref<1x128xf32, #tpu.memory_space<vmem>>, vector<1x128xf32>,
    } else {
    }
    %get3A_21 = arith.constant 0 : index
    %get3A_22 = arith.constant 0 : index
    %get3A_23 = vector.load %arg3[%get3A_21, %get3A_22] : memref<128x128xf32, #tpu.memory_space<vmem>>, vector<128x128xf32>
    %dot_general3A = arith.constant dense<0.000000e+00> : vector<128x128xf32>
    %dot_general3A_24 = tpu.matmul %select_n3A, %select_n3A, %dot_general3A {dimension_numbers = #tpu.dot_dimension_numbers<[0], [0], [1], [1], [0, 1, 1, 1], [], []>, precision = #tpu.contract_precision<fp32>, transpose_lhs_hint = false} : vector<1264x128xf32>, vector<1264x128xf32>, vector<128x128xf32> -> vector<128x128xf32>
    %add3A_25 = arith.addf %get3A_23, %dot_general3A_24 : vector<128x128xf32>
    %swap3A_26 = arith.constant 0 : index
    %swap3A_27 = arith.constant 0 : index
    %swap3A_28 = vector.load %arg3[%swap3A_26, %swap3A_27] : memref<128x128xf32, #tpu.memory_space<vmem>>, vector<128x128xf32>
    tpu.vector_store %arg3[%swap3A_26, %swap3A_27], %add3A_25 {strides = array<i32>} : memref<128x128xf32, #tpu.memory_space<vmem>>, vector<128x128xf32>,
    %get3A_29 = arith.constant 0 : index
    %get3A_30 = arith.constant 0 : index
    %get3A_31 = vector.load %arg4[%get3A_29, %get3A_30] : memref<1x128xf32, #tpu.memory_space<vmem>>, vector<1x128xf32>
    %reduce_sum3A = arith.constant dense<0.000000e+00> : vector<128xf32>
    %reduce_sum3A_32 = vector.multi_reduction <add>, %select_n3A, %reduce_sum3A [0] : vector<1264x128xf32> to vector<128xf32>
    %broadcast_in_dim3A_33 = vector.shape_cast %reduce_sum3A_32 : vector<128xf32> to vector<1x128xf32>
    %add3A_34 = arith.addf %get3A_31, %broadcast_in_dim3A_33 : vector<1x128xf32>
    %swap3A_35 = arith.constant 0 : index
    %swap3A_36 = arith.constant 0 : index
    %swap3A_37 = vector.load %arg4[%swap3A_35, %swap3A_36] : memref<1x128xf32, #tpu.memory_space<vmem>>, vector<1x128xf32>
    tpu.vector_store %arg4[%swap3A_35, %swap3A_36], %add3A_34 {strides = array<i32>} : memref<1x128xf32, #tpu.memory_space<vmem>>, vector<1x128xf32>,
    return
  }
  func.func @transform_0(%arg0: i32) -> (i32, i32, i32) {
    %c0_i32 = arith.constant 0 : i32
    %c0_i32_0 = arith.constant 0 : i32
    %c0_i32_1 = arith.constant 0 : i32
    return %c0_i32, %arg0, %c0_i32_0 : i32, i32, i32
  }
  func.func @transform_1(%arg0: i32) -> (i32, i32) {
    %c0_i32 = arith.constant 0 : i32
    %c0_i32_0 = arith.constant 0 : i32
    return %arg0, %c0_i32 : i32, i32
  }
  func.func @transform_2(%arg0: i32) -> (i32, i32) {
    %c0_i32 = arith.constant 0 : i32
    %c0_i32_0 = arith.constant 0 : i32
    %c0_i32_1 = arith.constant 0 : i32
    return %c0_i32, %c0_i32_0 : i32, i32
  }
  func.func @transform_3(%arg0: i32) -> (i32, i32) {
    %c0_i32 = arith.constant 0 : i32
    %c0_i32_0 = arith.constant 0 : i32
    %c0_i32_1 = arith.constant 0 : i32
    return %c0_i32, %c0_i32_0 : i32, i32
  }
  func.func @transform_4(%arg0: i32) -> (i32, i32) {
    %c0_i32 = arith.constant 0 : i32
    %c0_i32_0 = arith.constant 0 : i32
    return %arg0, %c0_i32 : i32, i32
  }
}

module attributes {stable_mosaic.version = 14 : i64} {
  func.func @_head_body(%arg0: i32, %arg1: memref<1264x128xf32, #tpu.memory_space<vmem>>, %arg2: memref<128x128xf32, #tpu.memory_space<vmem>>, %arg3: memref<1x128xf32, #tpu.memory_space<vmem>>, %arg4: memref<128x512xf32, #tpu.memory_space<vmem>>, %arg5: memref<1x512xf32, #tpu.memory_space<vmem>>, %arg6: memref<1x512xf32, #tpu.memory_space<vmem>>, %arg7: memref<512x2xf32, #tpu.memory_space<vmem>>, %arg8: memref<1x2xf32, #tpu.memory_space<vmem>>, %arg9: memref<1264x1xf32, #tpu.memory_space<vmem>>, %arg10: memref<1264x2xf32, #tpu.memory_space<vmem>>, %arg11: memref<128x2xf32, #tpu.memory_space<vmem>>, %arg12: memref<1x2xf32, #tpu.memory_space<vmem>>) attributes {dimension_semantics = [#tpu.dimension_semantics<arbitrary>], iteration_bounds = array<i64: 8>, scalar_prefetch = 0 : i64, scratch_operands = 2 : i64, tpu.core_type = #tpu.core_type<tc>, window_params = [{transform_indices = @transform_0, window_bounds = array<i64: 1264, 128>}, {pipeline_mode = #tpu.pipeline_mode<synchronous>, transform_indices = @transform_1, window_bounds = array<i64: 128, 128>}, {pipeline_mode = #tpu.pipeline_mode<synchronous>, transform_indices = @transform_2, window_bounds = array<i64: 1, 128>}, {pipeline_mode = #tpu.pipeline_mode<synchronous>, transform_indices = @transform_3, window_bounds = array<i64: 128, 512>}, {pipeline_mode = #tpu.pipeline_mode<synchronous>, transform_indices = @transform_4, window_bounds = array<i64: 1, 512>}, {pipeline_mode = #tpu.pipeline_mode<synchronous>, transform_indices = @transform_5, window_bounds = array<i64: 1, 512>}, {pipeline_mode = #tpu.pipeline_mode<synchronous>, transform_indices = @transform_6, window_bounds = array<i64: 512, 2>}, {pipeline_mode = #tpu.pipeline_mode<synchronous>, transform_indices = @transform_7, window_bounds = array<i64: 1, 2>}, {transform_indices = @transform_8, window_bounds = array<i64: 1264, 1>}, {transform_indices = @transform_9, window_bounds = array<i64: 1264, 2>}]} {
    %eq3A = arith.constant 0 : i32
    %eq3A_0 = arith.cmpi eq, %arg0, %eq3A : i32
    %convert_element_type3A = arith.extui %eq3A_0 : i1 to i32
    %cond3A = arith.constant 0 : i32
    %cond3A_1 = arith.cmpi ne, %convert_element_type3A, %cond3A : i32
    scf.if %cond3A_1 {
      %get3A_25 = arith.constant 0 : index
      %get3A_26 = arith.constant 0 : index
      %get3A_27 = vector.load %arg4[%get3A_25, %get3A_26] : memref<128x512xf32, #tpu.memory_space<vmem>>, vector<128x512xf32>
      %get3A_28 = arith.constant 0 : index
      %get3A_29 = arith.constant 0 : index
      %get3A_30 = vector.load %arg3[%get3A_28, %get3A_29] : memref<1x128xf32, #tpu.memory_space<vmem>>, vector<1x128xf32>
      %mul3A_31 = arith.constant 9.99999974E-5 : f32
      %mul3A_32 = vector.broadcast %mul3A_31 : f32 to vector<1x128xf32>
      %mul3A_33 = arith.mulf %get3A_30, %mul3A_32 : vector<1x128xf32>
      %dot_general3A_34 = arith.constant dense<0.000000e+00> : vector<1x512xf32>
      %dot_general3A_35 = tpu.matmul %mul3A_33, %get3A_27, %dot_general3A_34 {dimension_numbers = #tpu.dot_dimension_numbers<[1], [0], [0], [1], [0, 0, 1, 1], [], []>, precision = #tpu.contract_precision<fp32>, transpose_lhs_hint = false} : vector<1x128xf32>, vector<128x512xf32>, vector<1x512xf32> -> vector<1x512xf32>
      %get3A_36 = arith.constant 0 : index
      %get3A_37 = arith.constant 0 : index
      %get3A_38 = vector.load %arg2[%get3A_36, %get3A_37] : memref<128x128xf32, #tpu.memory_space<vmem>>, vector<128x128xf32>
      %mul3A_39 = arith.constant 9.99999974E-5 : f32
      %mul3A_40 = vector.broadcast %mul3A_39 : f32 to vector<128x128xf32>
      %mul3A_41 = arith.mulf %get3A_38, %mul3A_40 : vector<128x128xf32>
      %dot_general3A_42 = arith.constant dense<0.000000e+00> : vector<128x512xf32>
      %dot_general3A_43 = tpu.matmul %mul3A_41, %get3A_27, %dot_general3A_42 {dimension_numbers = #tpu.dot_dimension_numbers<[1], [0], [0], [1], [0, 0, 1, 1], [], []>, precision = #tpu.contract_precision<fp32>, transpose_lhs_hint = false} : vector<128x128xf32>, vector<128x512xf32>, vector<128x512xf32> -> vector<128x512xf32>
      %mul3A_44 = arith.mulf %dot_general3A_43, %get3A_27 : vector<128x512xf32>
      %reduce_sum3A_45 = arith.constant dense<0.000000e+00> : vector<512xf32>
      %reduce_sum3A_46 = vector.multi_reduction <add>, %mul3A_44, %reduce_sum3A_45 [0] : vector<128x512xf32> to vector<512xf32>
      %broadcast_in_dim3A_47 = vector.shape_cast %reduce_sum3A_46 : vector<512xf32> to vector<1x512xf32>
      %mul3A_48 = arith.mulf %dot_general3A_35, %dot_general3A_35 : vector<1x512xf32>
      %sub3A_49 = arith.subf %broadcast_in_dim3A_47, %mul3A_48 : vector<1x512xf32>
      %get3A_50 = arith.constant 0 : index
      %get3A_51 = arith.constant 0 : index
      %get3A_52 = vector.load %arg5[%get3A_50, %get3A_51] : memref<1x512xf32, #tpu.memory_space<vmem>>, vector<1x512xf32>
      %add3A_53 = arith.constant 9.99999974E-6 : f32
      %add3A_54 = vector.broadcast %add3A_53 : f32 to vector<1x512xf32>
      %add3A_55 = arith.addf %sub3A_49, %add3A_54 : vector<1x512xf32>
      %rsqrt3A = math.rsqrt %add3A_55 : vector<1x512xf32>
      %mul3A_56 = arith.mulf %get3A_52, %rsqrt3A : vector<1x512xf32>
      %mul3A_57 = vector.broadcast %mul3A_56 : vector<1x512xf32> to vector<128x512xf32>
      %mul3A_58 = arith.mulf %get3A_27, %mul3A_57 : vector<128x512xf32>
      %get3A_59 = arith.constant 0 : index
      %get3A_60 = arith.constant 0 : index
      %get3A_61 = vector.load %arg7[%get3A_59, %get3A_60] : memref<512x2xf32, #tpu.memory_space<vmem>>, vector<512x2xf32>
      %dot_general3A_62 = arith.constant dense<0.000000e+00> : vector<128x2xf32>
      %dot_general3A_63 = tpu.matmul %mul3A_58, %get3A_61, %dot_general3A_62 {dimension_numbers = #tpu.dot_dimension_numbers<[1], [0], [0], [1], [0, 0, 1, 1], [], []>, precision = #tpu.contract_precision<fp32>, transpose_lhs_hint = false} : vector<128x512xf32>, vector<512x2xf32>, vector<128x2xf32> -> vector<128x2xf32>
      %swap3A_64 = arith.constant 0 : index
      %swap3A_65 = arith.constant 0 : index
      %swap3A_66 = vector.load %arg11[%swap3A_64, %swap3A_65] : memref<128x2xf32, #tpu.memory_space<vmem>>, vector<128x2xf32>
      tpu.vector_store %arg11[%swap3A_64, %swap3A_65], %dot_general3A_63 {strides = array<i32>} : memref<128x2xf32, #tpu.memory_space<vmem>>, vector<128x2xf32>,
      %get3A_67 = arith.constant 0 : index
      %get3A_68 = arith.constant 0 : index
      %get3A_69 = vector.load %arg6[%get3A_67, %get3A_68] : memref<1x512xf32, #tpu.memory_space<vmem>>, vector<1x512xf32>
      %mul3A_70 = arith.mulf %dot_general3A_35, %mul3A_56 : vector<1x512xf32>
      %sub3A_71 = arith.subf %get3A_69, %mul3A_70 : vector<1x512xf32>
      %get3A_72 = arith.constant 0 : index
      %get3A_73 = arith.constant 0 : index
      %get3A_74 = vector.load %arg7[%get3A_72, %get3A_73] : memref<512x2xf32, #tpu.memory_space<vmem>>, vector<512x2xf32>
      %dot_general3A_75 = arith.constant dense<0.000000e+00> : vector<1x2xf32>
      %dot_general3A_76 = tpu.matmul %sub3A_71, %get3A_74, %dot_general3A_75 {dimension_numbers = #tpu.dot_dimension_numbers<[1], [0], [0], [1], [0, 0, 1, 1], [], []>, precision = #tpu.contract_precision<fp32>, transpose_lhs_hint = false} : vector<1x512xf32>, vector<512x2xf32>, vector<1x2xf32> -> vector<1x2xf32>
      %get3A_77 = arith.constant 0 : index
      %get3A_78 = arith.constant 0 : index
      %get3A_79 = vector.load %arg8[%get3A_77, %get3A_78] : memref<1x2xf32, #tpu.memory_space<vmem>>, vector<1x2xf32>
      %add3A_80 = arith.addf %dot_general3A_76, %get3A_79 : vector<1x2xf32>
      %swap3A_81 = arith.constant 0 : index
      %swap3A_82 = arith.constant 0 : index
      %swap3A_83 = vector.load %arg12[%swap3A_81, %swap3A_82] : memref<1x2xf32, #tpu.memory_space<vmem>>, vector<1x2xf32>
      tpu.vector_store %arg12[%swap3A_81, %swap3A_82], %add3A_80 {strides = array<i32>} : memref<1x2xf32, #tpu.memory_space<vmem>>, vector<1x2xf32>,
    } else {
    }
    %get3A = arith.constant 0 : index
    %get3A_2 = arith.constant 0 : index
    %get3A_3 = vector.load %arg1[%get3A, %get3A_2] : memref<1264x128xf32, #tpu.memory_space<vmem>>, vector<1264x128xf32>
    %get3A_4 = arith.constant 0 : index
    %get3A_5 = arith.constant 0 : index
    %get3A_6 = vector.load %arg11[%get3A_4, %get3A_5] : memref<128x2xf32, #tpu.memory_space<vmem>>, vector<128x2xf32>
    %dot_general3A = arith.constant dense<0.000000e+00> : vector<1264x2xf32>
    %dot_general3A_7 = tpu.matmul %get3A_3, %get3A_6, %dot_general3A {dimension_numbers = #tpu.dot_dimension_numbers<[1], [0], [0], [1], [0, 0, 1, 1], [], []>, precision = #tpu.contract_precision<fp32>, transpose_lhs_hint = false} : vector<1264x128xf32>, vector<128x2xf32>, vector<1264x2xf32> -> vector<1264x2xf32>
    %get3A_8 = arith.constant 0 : index
    %get3A_9 = arith.constant 0 : index
    %get3A_10 = vector.load %arg12[%get3A_8, %get3A_9] : memref<1x2xf32, #tpu.memory_space<vmem>>, vector<1x2xf32>
    %add3A = vector.broadcast %get3A_10 : vector<1x2xf32> to vector<1264x2xf32>
    %add3A_11 = arith.addf %dot_general3A_7, %add3A : vector<1264x2xf32>
    %max3A = arith.constant 0.000000e+00 : f32
    %max3A_12 = vector.broadcast %max3A : f32 to vector<1264x2xf32>
    %max3A_13 = arith.maximumf %add3A_11, %max3A_12 : vector<1264x2xf32>
    %get3A_14 = arith.constant 0 : index
    %get3A_15 = arith.constant 0 : index
    %get3A_16 = vector.load %arg9[%get3A_14, %get3A_15] : memref<1264x1xf32, #tpu.memory_space<vmem>>, vector<1264x1xf32>
    %mul3A = vector.broadcast %get3A_16 : vector<1264x1xf32> to vector<1264x2xf32>
    %mul3A_17 = arith.mulf %max3A_13, %mul3A : vector<1264x2xf32>
    %reduce_max3A = arith.constant dense<0xFF800000> : vector<1264xf32>
    %reduce_max3A_18 = vector.multi_reduction <maximumf>, %mul3A_17, %reduce_max3A [1] : vector<1264x2xf32> to vector<1264xf32>
    %broadcast_in_dim3A = vector.shape_cast %reduce_max3A_18 : vector<1264xf32> to vector<1264x1xf32>
    %sub3A = vector.broadcast %broadcast_in_dim3A : vector<1264x1xf32> to vector<1264x2xf32>
    %sub3A_19 = arith.subf %mul3A_17, %sub3A : vector<1264x2xf32>
    %exp3A = math.exp %sub3A_19 : vector<1264x2xf32>
    %reduce_sum3A = arith.constant dense<0.000000e+00> : vector<1264xf32>
    %reduce_sum3A_20 = vector.multi_reduction <add>, %exp3A, %reduce_sum3A [1] : vector<1264x2xf32> to vector<1264xf32>
    %broadcast_in_dim3A_21 = vector.shape_cast %reduce_sum3A_20 : vector<1264xf32> to vector<1264x1xf32>
    %div3A = vector.broadcast %broadcast_in_dim3A_21 : vector<1264x1xf32> to vector<1264x2xf32>
    %div3A_22 = arith.divf %exp3A, %div3A : vector<1264x2xf32>
    %swap3A = arith.constant 0 : index
    %swap3A_23 = arith.constant 0 : index
    %swap3A_24 = vector.load %arg10[%swap3A, %swap3A_23] : memref<1264x2xf32, #tpu.memory_space<vmem>>, vector<1264x2xf32>
    tpu.vector_store %arg10[%swap3A, %swap3A_23], %div3A_22 {strides = array<i32>} : memref<1264x2xf32, #tpu.memory_space<vmem>>, vector<1264x2xf32>,
    return
  }
  func.func @transform_0(%arg0: i32) -> (i32, i32) {
    %c0_i32 = arith.constant 0 : i32
    %c0_i32_0 = arith.constant 0 : i32
    return %arg0, %c0_i32 : i32, i32
  }
  func.func @transform_1(%arg0: i32) -> (i32, i32) {
    %c0_i32 = arith.constant 0 : i32
    %c0_i32_0 = arith.constant 0 : i32
    %c0_i32_1 = arith.constant 0 : i32
    return %c0_i32, %c0_i32_0 : i32, i32
  }
  func.func @transform_2(%arg0: i32) -> (i32, i32) {
    %c0_i32 = arith.constant 0 : i32
    %c0_i32_0 = arith.constant 0 : i32
    %c0_i32_1 = arith.constant 0 : i32
    return %c0_i32, %c0_i32_0 : i32, i32
  }
  func.func @transform_3(%arg0: i32) -> (i32, i32) {
    %c0_i32 = arith.constant 0 : i32
    %c0_i32_0 = arith.constant 0 : i32
    %c0_i32_1 = arith.constant 0 : i32
    return %c0_i32, %c0_i32_0 : i32, i32
  }
  func.func @transform_4(%arg0: i32) -> (i32, i32) {
    %c0_i32 = arith.constant 0 : i32
    %c0_i32_0 = arith.constant 0 : i32
    %c0_i32_1 = arith.constant 0 : i32
    return %c0_i32, %c0_i32_0 : i32, i32
  }
  func.func @transform_5(%arg0: i32) -> (i32, i32) {
    %c0_i32 = arith.constant 0 : i32
    %c0_i32_0 = arith.constant 0 : i32
    %c0_i32_1 = arith.constant 0 : i32
    return %c0_i32, %c0_i32_0 : i32, i32
  }
  func.func @transform_6(%arg0: i32) -> (i32, i32) {
    %c0_i32 = arith.constant 0 : i32
    %c0_i32_0 = arith.constant 0 : i32
    %c0_i32_1 = arith.constant 0 : i32
    return %c0_i32, %c0_i32_0 : i32, i32
  }
  func.func @transform_7(%arg0: i32) -> (i32, i32) {
    %c0_i32 = arith.constant 0 : i32
    %c0_i32_0 = arith.constant 0 : i32
    %c0_i32_1 = arith.constant 0 : i32
    return %c0_i32, %c0_i32_0 : i32, i32
  }
  func.func @transform_8(%arg0: i32) -> (i32, i32) {
    %c0_i32 = arith.constant 0 : i32
    %c0_i32_0 = arith.constant 0 : i32
    return %arg0, %c0_i32 : i32, i32
  }
  func.func @transform_9(%arg0: i32) -> (i32, i32) {
    %c0_i32 = arith.constant 0 : i32
    %c0_i32_0 = arith.constant 0 : i32
    return %arg0, %c0_i32 : i32, i32
  }
}

</mosaic_0001>

<sc_bundles>
// kernel: kernel.10.cloned.1.call-start
scs
__scs_entry_jumppad:
0x0: {  	(pc) =	sbr.rel $0x88, $3  }
0x1: {  	(tag) =	ssettag $0x0;
	lr =	simm.s32 $0x1  }
0x2: {  	[smem:$0x3F99] =	sst lr;
	_ =	strace $0xD0000000  }
0x3: {  	_ = 	snop  }
0x4: {  	_ = 	snop  }
0x5: {  	_ = 	snop  }
0x6: {  	_ = 	snop  }
0x7: {  	_ = 	snop  }
__scs_overlays_trampoline_lowered:
0x8: {  	[smem:$0x3FA8] =	sst s0  }
0x9: {  	[smem:$0x3FA9] =	sst s1  }
0xa: {  	[smem:$0x3FAA] =	sst s2  }
0xb: {  	[smem:$0x3FAB] =	sst s3  }
0xc: {  	[smem:$0x3FAC] =	sst s4  }
0xd: {  	[smem:$0x3FAD] =	sst s5  }
0xe: {  	[smem:$0x3FAE] =	sst s6  }
0xf: {  	[smem:$0x3FAF] =	sst s7  }
0x10: {  	[smem:$0x3FB0] =	sst s8  }
0x11: {  	[smem:$0x3FB1] =	sst s9;
	s0 =	simm.s32 @!p0 $0x0  }
0x12: {  	s1 =	sld [smem:$0x3F97];
	s0 =	simm.s32 @p0 $0x1  }
0x13: {  	[smem:$0x3FB2] =	sst s0;
	s0 =	simm.s32 @!p1 $0x0  }
0x14: {  	s2 =	sld [smem:$0x3F96];
	s0 =	simm.s32 @p1 $0x1  }
0x15: {  	[smem:$0x3FB3] =	sst s0;
	s0 =	simm.s32 @!p2 $0x0  }
0x16: {  	s3 =	sld [smem:$0x3FDB];
	s0 =	simm.s32 @p2 $0x1  }
0x17: {  	s4 =	simm.s32 $0x1BF5;
	[smem:$0x3FB5] =	sst s0  }
0x18: {  	s0 =	sld [smem:$0x3F98];
	_ =	swait.ge [sflag:s4], $0x0  }
0x19: {  	s7 =	sld [smem:$0x3F99]  }
0x1a: {  	s8 =	sadd.s32 $0xFFFFE003, lr  }
0x1b: {  	s9 =	sadd.s32 $0xFFFFFEF7, lr;
	s5 =	simm.s32 $0xFFFFFFFF;
	p2 =	slt.u32 s8, $0xFFFFF086  }
0x1c: {  	p1 =	slt.u32 s9, $0xF7A;
	s5 =	simm.s32 @!p2 $0x0  }
0x1d: {  	s5 =	simm.s32 @p1 $0x1;
	p0 =	seq.s32 s7, s2  }
0x1e: {  	s7 =	smul.u32 @!p0 $0xF7A, s2;
	p2 =	seq.s32 @!p0 s5, $0x0  }
0x1f: {  	s9 =	smul.u32 $0xF7A, s1;
	s8 =	simm.s32 @!p0 $0x1BF5;
	p2 =	por !p2, p0  }
0x20: {  	[sflag:s8] =	ssyncset.s32 @!p0 $0xFFFFF086;
	s6 =	sadd.s32 @!p0 s3, s7;
	s7 =	simm.s32 @!p0 $0x108  }
0x21: {  	s3 =	sadd.s32 s3, s9;
	s6 =	sadd.s32 @!p0 $0x88, s6;
	s7 =	simm.s32 @p2 $0x1082  }
0x22: {  	[simem:s7], [sflag:s8] =	dma.local @!p0 [hbm:s6], $0xF7A  }
0x23: {  	s9 =	sor.u32 $0xD0000000, s2;
	s6 =	simm.s32 $0x108;
	_ =	swait.ge @!p0 [sflag:s8], $0x0  }
0x24: {  	s3 =	sadd.s32 $0x88, s3;
	s6 =	simm.s32 @!p1 $0x1082;
	[sflag:s4] =	ssyncset.s32 $0xFFFFF086  }
0x25: {  	[simem:s6], [sflag:s4] =	dma.local [hbm:s3], $0xF7A  }
0x26: {  	[smem:$0x3F99] =	sst s1;
	(tag) =	ssettag s2;
	_ =	strace s9  }
0x27: {  	s1 =	sld [smem:$0x3FA9]  }
0x28: {  	s2 =	sld [smem:$0x3FAA]  }
0x29: {  	s4 =	sld [smem:$0x3FAC]  }
0x2a: {  	p0 =	seq.s32 s5, $0x0;
	s5 =	sld [smem:$0x3FAD]  }
0x2b: {  	s6 =	sld [smem:$0x3FAE]  }
0x2c: {  	s7 =	sld [smem:$0x3FAF]  }
0x2d: {  	s3 =	simm.s32 $0x108;
	s8 =	sld [smem:$0x3FB0]  }
0x2e: {  	s3 =	simm.s32 @!p0 $0x1082;
	s9 =	sld [smem:$0x3FB1]  }
0x2f: {  	lr =	sadd.s32 s0, s3;
	s0 =	sld [smem:$0x3FA8]  }
0x30: {  	s3 =	sld [smem:$0x3FAB]  }
0x31: {  	[smem:$0x3FB4] =	sst s10  }
0x32: {  	s10 =	sld [smem:$0x3FB2];
	_ =	sdelay $0x3  }
0x33: {  	p0 =	seq.s32 s10, $0x1;
	s10 =	sld [smem:$0x3FB4];
	_ =	sdelay $0x3  }
0x34: {  	[smem:$0x3FB4] =	sst s10  }
0x35: {  	s10 =	sld [smem:$0x3FB3];
	_ =	sdelay $0x3  }
0x36: {  	p1 =	seq.s32 s10, $0x1;
	s10 =	sld [smem:$0x3FB4];
	_ =	sdelay $0x3  }
0x37: {  	[smem:$0x3FB4] =	sst s10  }
0x38: {  	s10 =	sld [smem:$0x3FB5]  }
0x39: {  	_ = 	snop;
	(pc) =	sbr.ind lr, $3  }
0x3a: {  	_ = 	snop  }
0x3b: {  	_ = 	snop  }
0x3c: {  	p2 =	seq.s32 s10, $0x1;
	s10 =	sld [smem:$0x3FB4]  }
0x3d: {  	_ =	shalt  }
0x3e: {  	_ =	shalt  }
0x3f: {  	_ =	shalt  }
0x40: {  	_ =	shalt  }
0x41: {  	_ =	shalt  }
0x42: {  	_ =	shalt  }
0x43: {  	_ =	shalt  }
0x44: {  	_ =	shalt  }
0x45: {  	_ =	shalt  }
0x46: {  	_ =	shalt  }
0x47: {  	_ =	shalt  }
0x48: {  	_ =	shalt  }
0x49: {  	_ =	shalt  }
0x4a: {  	_ =	shalt  }
0x4b: {  	_ =	shalt  }
0x4c: {  	_ =	shalt  }
0x4d: {  	_ =	shalt  }
0x4e: {  	_ =	shalt  }
0x4f: {  	_ =	shalt  }
0x50: {  	_ =	shalt  }
0x51: {  	_ =	shalt  }
0x52: {  	_ =	shalt  }
0x53: {  	_ =	shalt  }
0x54: {  	_ =	shalt  }
0x55: {  	_ =	shalt  }
0x56: {  	_ =	shalt  }
0x57: {  	_ =	shalt  }
0x58: {  	_ =	shalt  }
0x59: {  	_ =	shalt  }
0x5a: {  	_ =	shalt  }
0x5b: {  	_ =	shalt  }
0x5c: {  	_ =	shalt  }
0x5d: {  	_ =	shalt  }
0x5e: {  	_ =	shalt  }
0x5f: {  	_ =	shalt  }
0x60: {  	_ =	shalt  }
0x61: {  	_ =	shalt  }
0x62: {  	_ =	shalt  }
0x63: {  	_ =	shalt  }
0x64: {  	_ =	shalt  }
0x65: {  	_ =	shalt  }
0x66: {  	_ =	shalt  }
0x67: {  	_ =	shalt  }
0x68: {  	_ =	shalt  }
0x69: {  	_ =	shalt  }
0x6a: {  	_ =	shalt  }
0x6b: {  	_ =	shalt  }
0x6c: {  	_ =	shalt  }
0x6d: {  	_ =	shalt  }
0x6e: {  	_ =	shalt  }
0x6f: {  	_ =	shalt  }
0x70: {  	_ =	shalt  }
0x71: {  	_ =	shalt  }
0x72: {  	_ =	shalt  }
0x73: {  	_ =	shalt  }
0x74: {  	_ =	shalt  }
0x75: {  	_ =	shalt  }
0x76: {  	_ =	shalt  }
0x77: {  	_ =	shalt  }
0x78: {  	_ =	shalt  }
0x79: {  	_ =	shalt  }
0x7a: {  	_ =	shalt  }
0x7b: {  	_ =	shalt  }
0x7c: {  	_ =	shalt  }
0x7d: {  	_ =	shalt  }
0x7e: {  	_ =	shalt  }
0x7f: {  	_ =	shalt  }
0x80: {  	_ =	shalt  }
0x81: {  	_ =	shalt  }
0x82: {  	_ =	shalt  }
0x83: {  	_ =	shalt  }
0x84: {  	_ =	shalt  }
0x85: {  	_ =	shalt  }
0x86: {  	_ =	shalt  }
0x87: {  	_ =	shalt  }
.Lfunc_end0:
.L_simem_size_0:
called_computation.1_lowered:
.L_overlay_start_0:
0x88: {  	s2 =	sld [smem:$0x3FD9]  }
0x89: {  	s3 =	sld [smem:$0x3FFE];
	_ =	sdelay $0x1  }
0x8a: {  	s1 =	srdreg.scid  }
0x8b: {  	s0 =	sand.u32 $0x1, s1  }
0x8c: {  	s16 =	sshll.u32 s0, $0xA;
	s2 =	sadd.s32 s3, s2  }
0x8d: {  	s2 =	sadd.s32 s2, s16  }
0x8e: {  	[smem:$0x3FC0] =	sst s2  }
0x8f: {  	_ = 	snop  }
0x90: {  	(tm) =	ssettm $0x1  }
0x91: {  	s17 =	sld [smem:$0x3FFB];
	_ =	sdelay $0x3  }
0x92: {  	_ =	strace s17  }
0x93: {  	s2 =	sld [smem:$0x3FFC];
	_ =	sdelay $0x3  }
0x94: {  	_ =	strace s2  }
0x95: {  	s2 =	sld [smem:$0x3FFD];
	_ =	sdelay $0x3  }
0x96: {  	_ =	strace s2  }
0x97: {  	_ =	strace $0x8FFFFFFF  }
0x98: {  	s18 =	sld [smem:$0x3FDB];
	_ =	sdelay $0x1  }
0x99: {  	s19 =	simm.s32 $_scs_section_size  }
0x9a: {  	s4 =	simm.s32 $_size__tile_overlayer_lowered;
	s5 =	simm.s32 $_tile_overlayer_lowered  }
0x9b: {  	s22 =	simm.s32 $0x1BFF;
	s21 =	sshll.u32 s5, $0x1;
	s2 =	sadd.s32 s19, s18  }
0x9c: {  	s6 =	simm.s32 $0x0;
	s20 =	sshll.u32 s4, $0x1;
	s4 =	sadd.s32 s21, s2  }
0x9d: {  	[timem:s6], [sflag:s22] =	dma.local [hbm:s4], s20  }
0x9e: {  	_ =	swait.ge [sflag:s22], s20  }
0x9f: {  	s3 =	ssub.s32 $0x0, s20;
	[sflag:s22] =	ssyncset.done $0x0  }
0xa0: {  	[sflag:s22] =	ssyncadd.s32 s3;
	_ =	sdelay $0x1  }
0xa1: {  	s23 =	simm.s32 $0x1B8B  }
0xa2: {  	_ =	swait.ge [sflag:s23], $0x1  }
0xa3: {  	[sflag:s23] =	ssyncset.done $0x0  }
0xa4: {  	s25 =	simm.s32 $0x1B8E;
	s24 =	sld [smem:$0x3FFE];
	[sflag:s23] =	ssyncadd.s32 $0xFFFFFFFF  }
0xa5: {  	s26 =	simm.s32 $execute0_lowered;
	[smem:$0x3FD2] =	sst s25  }
0xa6: {  	s4 =	sshll.u32 s26, $0x1;
	_ =	strace $0x80000049;
	[dreg:$0x1] =	wrdreg $0xFFFFFFFF  }
0xa7: {  	s28 =	simm.s32 $_size_execute0_lowered;
	s2 =	sadd.s32 s2, s4;
	[dreg:$0x0] =	wrdreg $0x0  }
0xa8: {  	s4 =	sshll.u32 s28, $0x1;
	[dreg:$0x2] =	wrdreg s2  }
0xa9: {  	[dreg:$0x3] =	wrdreg s4  }
0xaa: {  	[dreg:$0x4] =	wrdreg $0xC0  }
0xab: {  	_ =	task [dreg:s6], $0x5FFFF  }
0xac: {  	[dreg:$0x1] =	wrdreg $0xFFFFFFFF  }
0xad: {  	[dreg:$0x0] =	wrdreg $0x60  }
0xae: {  	[dreg:$0x2] =	wrdreg s24  }
0xaf: {  	[dreg:$0x3] =	wrdreg $0xA8000  }
0xb0: {  	[dreg:$0x4] =	wrdreg $0x9  }
0xb1: {  	_ =	task.clear_ibuf [dreg:s6], $0x5FFFF;
	_ =	strace $0x90000049  }
0xb2: {  	s29 =	simm.s32 $0x9;
	_ =	strace $0x8000004B  }
0xb3: {  	_ =	swait.ge [sflag:s29], $0x1  }
0xb4: {  	[sflag:s29] =	ssyncadd.s32 $0xFFFFFFFF  }
0xb5: {  	_ =	strace $0x9000004B  }
0xb6: {  	_ =	sfence  }
0xb7: {  	s30 =	sld [smem:$0x0];
	_ =	sdelay $0x2  }
0xb8: {  	s31 =	sshll.u32 s1, $0xD;
	s1 =	sshrl.u32 s1, $0x2  }
0xb9: {  	s3 =	sand.u32 $0x4000, s31;
	s1 =	sadd.s32 s1, s30  }
0xba: {  	s0 =	sor.u32 s3, s0;
	s1 =	sshll.u32 s1, $0x11  }
0xbb: {  	s0 =	sor.u32 s1, s0  }
0xbc: {  	s0 =	sadd.s32 $0x8F2B, s0  }
0xbd: {  	[sflag:s0] =	ssyncadd.remote.s32 $0x1  }
0xbe: {  	_ =	sfence.sel $0xFFFF  }
0xbf: {  	[dreg:$0x0] =	wrdreg $0xFFFFFFFF;
	(pc) =	sbr.abs _section_cstart, $3  }
0xc0: {  	[dreg:$0x1] =	wrdreg $0xFFFFFFFF  }
0xc1: {  	_ =	task.clear_ibuf [dreg:s6], $0x2FFFF;
	_ =	strace $0x9FFFFFFF  }
0xc2: {  	(tm) =	ssettm $0x7FFFFFFF  }
0xc3: {  	_ =	shalt  }
tec
execute0_lowered:
.L_overlay_start_1:
0x0: {  	(tag) =	ssettag $0x1  }
0x1: {  	s5 =	rddreg [dreg:$0x0]  }
0x2: {  	s1 =	rddreg [dreg:$0x1]  }
0x3: {  	s0 =	rddreg [dreg:$0x2]  }
0x4: {  	s3 =	simm.s32 $0x0;
	s2 =	srdreg.scid;
	s17 =	simm.s32 $0x80  }
0x5: {  	s18 =	simm.s32 $0x6800;
	s19 =	simm.s32 $0x0;
	[smem:$0x7FF] =	sst s3  }
0x6: {  	s12 =	sand.u32 $0x1, s2;
	s2 =	stileid.u32;
	s4 =	sadd.s32 $0x16400, s5  }
0x7: {  	s8 =	sadd.s32 $0xC400, s5;
	s9 =	sadd.s32 $0x1800, s5;
	s6 =	smul.u32 $0x13C000, s12  }
0x8: {  	s13 =	sadd.s32 $0x3DC00, s5;
	_ =	strace $0x8000004A;
	s7 =	smul.u32 $0x13C00, s2  }
0x9: {  	s26 =	sshll.u32 s12, $0x4;
	s10 =	smul.u32 $0x4F000, s2;
	s11 =	ssub.s32 $0x2, s12  }
0xa: {  	s14 =	smul.u32 $0x2780, s2;
	p0 =	sne.s32 s12, $0x0;
	s31 =	sshll.u32 s2, $0x6  }
0xb: {  	s15 =	sshrl.u32 s11, $0x1;
	s12 =	sor.u32 $0x1C03, s31;
	s6 =	sadd.s32 s7, s6  }
0xc: {  	s7 =	sor.u32 s2, s26;
	s11 =	ssub.s32 s11, s15;
	s28 =	sshrl.u32 s10, $0x2  }
0xd: {  	s15 =	simm.s32 $0x7D;
	s6 =	sshrl.u32 s6, $0x3;
	s7 =	smul.u32 $0x2800, s7  }
0xe: {  	s29 =	sadd.s32 s28, s1;
	s11 =	smax.u32 s11, $0x1;
	s16 =	sadd.s32 s6, s5  }
0xf: {  	s5 =	sadd.s32 s4, s14;
	s14 =	simm.s32 $0x3;
	s30 =	sshrl.u32 s7, $0x3  }
0x10: {  	s5 =	smov.u32 @p0 s13;
	s13 =	sshrl.u32 s29, $0x3;
	s10 =	sadd.s32 $0x280, s30  }
0x11: {  	s6 =	sadd.s32 s8, s30;
	s7 =	sadd.s32 s9, s30;
	s8 =	sadd.s32 s8, s10  }
0x12: {  	s9 =	sadd.s32 s9, s10;
	s10 =	sadd.s32 $0x40400, s16;
	s16 =	simm.s32 $0x2800  }
.LBB2_1:
0x13: {  	[spmem:s13], [sflag:s12] =	dma.local [hbm:s5], $0x2780  }
0x14: {  	_ =	swait.ge [sflag:s14], $0x2780  }
0x15: {  	[sflag:s14] =	ssyncset.done $0x0  }
0x16: {  	[sflag:s14] =	ssyncadd.s32 $0xFFFFD880  }
0x17: {  	[bflag:$0x0] =	sbarrier.arrive $0xFFFF  }
0x18: {  	[tilespmem:s3], [sflag:$0x3] =	stream.linear.gather [hbm4b:s6+s3], $0x1400, $0x38;
	[tilespmem:$0x1E400] =	vst v63  }
0x19: {  	_ =	swait.ge [sflag:s14], $0x1400  }
0x1a: {  	[sflag:s14] =	ssyncset.done $0x0  }
0x1b: {  	s23 =	simm.s32 $0x1400;
	[sflag:s14] =	ssyncadd.s32 $0xFFFFEC00  }
0x1c: {  	[tilespmem:s23], [sflag:$0x3] =	stream.linear.gather [hbm4b:s7+s3], $0x1400, $0x38;
	[tilespmem:$0x1E400] =	vst v63  }
0x1d: {  	_ =	swait.ge [sflag:s14], $0x1400  }
0x1e: {  	[sflag:s14] =	ssyncset.done $0x0  }
0x1f: {  	s24 =	sand.u32 $0x1, s3;
	[sflag:s14] =	ssyncadd.s32 $0xFFFFEC00  }
0x20: {  	[tilespmem:s16], [sflag:$0x1] =	stream.indirect.gather [hbm4b:s4+s15], $0x80, s3, s15, $0xb8;
	[tilespmem:$0x1E400] =	vst v63  }
0x21: {  	s22 =	sadd.s32 $0x1, s24  }
0x22: {  	[tilespmem:s18], [sflag:$0x2] =	stream.indirect.gather [hbm4b:s4+s15], $0x80, s17, s15, $0xb8;
	[tilespmem:$0x1E400] =	vst v63  }
0x23: {  	s21 =	simm.s32 $0x100;
	_ =	swait.ge [sflag:s22], $0x3E80  }
0x24: {  	s20 =	simm.s32 $0x1;
	s25 =	sshll.u32 s24, $0xE;
	[sflag:s22] =	ssyncset.done $0x0  }
0x25: {  	s26 =	simm.s32 $0x2;
	s29 =	sor.u32 $0x2800, s25;
	[sflag:s22] =	ssyncadd.s32 $0xFFFFC180  }
0x26: {  	[spmem:s1] =	stream.indirect.scatter.add.f32 [tilespmem:s29], [sflag:$0x3], $0x80, s23, s15, $0xb8;
	[tilespmem:$0x1E400] =	vst v63  }
0x27: {  	p1 =	por $0x0, $0x0;
	s24 =	sand.u32 $0x1, s20;
	_ =	swait.ge [sflag:s14], $0x3E80  }
0x28: {  	s30 =	simm.s32 @!p1 $0x7D;
	s28 =	sshll.u32 s24, $0xE;
	[sflag:s14] =	ssyncset.done $0x0  }
0x29: {  	s25 =	simm.s32 $0x1480;
	s23 =	simm.s32 $0x180;
	[sflag:s14] =	ssyncadd.s32 $0xFFFFC180  }
.LBB2_2:
0x2a: {  	[tilespmem:s29], [sflag:s22] =	stream.indirect.gather @!p1 [hbm4b:s4+s30], $0x80, s21, s30, $0xb8;
	[tilespmem:$0x1E400] =	vst v63  }
0x2b: {  	s30 =	smov.u32 s20;
	s20 =	smov.u32 s26;
	s21 =	smov.u32 s23  }
0x2c: {  	s26 =	sadd.s32 $0x1, s26;
	s22 =	sadd.s32 $0x1, s24;
	s24 =	sand.u32 $0x1, s20  }
0x2d: {  	p0 =	sne.s32 s26, $0x28;
	s31 =	sshll.u32 s24, $0xE;
	_ =	swait.ge [sflag:s22], $0x3E80  }
0x2e: {  	[sflag:s22] =	ssyncset.done $0x0  }
.Ltmp0:
0x2f: {  	s29 =	sor.u32 $0x2800, s28;
	[sflag:s22] =	ssyncadd.s32 $0xFFFFC180;
	(pc) =	sbr.rel @p0 .LBB2_2-.Ltmp0, $4  }
0x30: {  	[spmem:s1] =	stream.indirect.scatter.add.f32 [tilespmem:s29], [sflag:$0x3], $0x80, s25, s15, $0xb8;
	[tilespmem:$0x1E400] =	vst v63  }
0x31: {  	s28 =	smov.u32 s31;
	_ =	swait.ge [sflag:s14], $0x3E80  }
0x32: {  	p1 =	sgt.u32 s30, $0x25;
	s25 =	sadd.s32 $0x80, s25;
	[sflag:s14] =	ssyncset.done $0x0  }
0x33: {  	s23 =	sadd.s32 $0x80, s23;
	s30 =	simm.s32 @!p1 $0x7D;
	[sflag:s14] =	ssyncadd.s32 $0xFFFFC180  }
0x34: {  	[tilespmem:s29], [sflag:s22] =	stream.indirect.gather @!p1 [hbm4b:s4+s30], $0x80, s21, s30, $0xb8;
	[tilespmem:$0x1E400] =	vst v63  }
0x35: {  	s21 =	sadd.s32 $0x1, s24  }
0x36: {  	_ =	swait.ge [sflag:s21], $0x3E80  }
0x37: {  	[sflag:s21] =	ssyncset.done $0x0  }
0x38: {  	s22 =	sor.u32 $0x2800, s28;
	[sflag:s21] =	ssyncadd.s32 $0xFFFFC180  }
0x39: {  	[spmem:s1] =	stream.indirect.scatter.add.f32 [tilespmem:s22], [sflag:$0x3], $0x80, s25, s15, $0xb8;
	[tilespmem:$0x1E400] =	vst v63  }
0x3a: {  	_ =	swait.ge [sflag:s14], $0x3E80  }
0x3b: {  	p0 =	sgt.u32 s20, $0x25;
	[sflag:s14] =	ssyncset.done $0x0  }
0x3c: {  	s20 =	simm.s32 @!p0 $0x7D;
	[sflag:s14] =	ssyncadd.s32 $0xFFFFC180  }
0x3d: {  	[tilespmem:s22], [sflag:s21] =	stream.indirect.gather @!p0 [hbm4b:s4+s20], $0x80, s23, s20, $0xb8;
	[tilespmem:$0x1E400] =	vst v63  }
0x3e: {  	s25 =	simm.s32 $0x0  }
0x3f: {  	[tilespmem:s25], [sflag:$0x3] =	stream.linear.gather [hbm4b:s8+s25], $0x1400, $0x38;
	[tilespmem:$0x1E400] =	vst v63  }
0x40: {  	_ =	swait.ge [sflag:s14], $0x1400  }
0x41: {  	[sflag:s14] =	ssyncset.done $0x0  }
0x42: {  	s23 =	simm.s32 $0x1400;
	[sflag:s14] =	ssyncadd.s32 $0xFFFFEC00  }
0x43: {  	[tilespmem:s23], [sflag:$0x3] =	stream.linear.gather [hbm4b:s9+s25], $0x1400, $0x38;
	[tilespmem:$0x1E400] =	vst v63  }
0x44: {  	_ =	swait.ge [sflag:s14], $0x1400  }
0x45: {  	[sflag:s14] =	ssyncset.done $0x0  }
0x46: {  	s26 =	sand.u32 $0x1, s25;
	[sflag:s14] =	ssyncadd.s32 $0xFFFFEC00  }
0x47: {  	[tilespmem:s16], [sflag:$0x1] =	stream.indirect.gather [hbm4b:s4+s15], $0x80, s25, s15, $0xb8;
	[tilespmem:$0x1E400] =	vst v63  }
0x48: {  	s22 =	sadd.s32 $0x1, s26  }
0x49: {  	[tilespmem:s18], [sflag:$0x2] =	stream.indirect.gather [hbm4b:s4+s15], $0x80, s17, s15, $0xb8;
	[tilespmem:$0x1E400] =	vst v63  }
0x4a: {  	p1 =	por $0x0, $0x0;
	_ =	swait.ge [sflag:s22], $0x3E80  }
0x4b: {  	s30 =	simm.s32 @!p1 $0x7D;
	s31 =	sshll.u32 s26, $0xE;
	[sflag:s22] =	ssyncset.done $0x0  }
0x4c: {  	s29 =	sor.u32 $0x2800, s31;
	s20 =	simm.s32 $0x1;
	[sflag:s22] =	ssyncadd.s32 $0xFFFFC180  }
0x4d: {  	[spmem:s1] =	stream.indirect.scatter.add.f32 [tilespmem:s29], [sflag:$0x3], $0x80, s23, s15, $0xb8;
	[tilespmem:$0x1E400] =	vst v63  }
0x4e: {  	s21 =	simm.s32 $0x100;
	s24 =	sand.u32 $0x1, s20;
	_ =	swait.ge [sflag:s14], $0x3E80  }
0x4f: {  	s26 =	simm.s32 $0x2;
	s28 =	sshll.u32 s24, $0xE;
	[sflag:s14] =	ssyncset.done $0x0  }
0x50: {  	s25 =	simm.s32 $0x1480;
	s23 =	simm.s32 $0x180;
	[sflag:s14] =	ssyncadd.s32 $0xFFFFC180  }
.LBB2_4:
0x51: {  	[tilespmem:s29], [sflag:s22] =	stream.indirect.gather @!p1 [hbm4b:s4+s30], $0x80, s21, s30, $0xb8;
	[tilespmem:$0x1E400] =	vst v63  }
0x52: {  	s30 =	smov.u32 s20;
	s20 =	smov.u32 s26;
	s21 =	smov.u32 s23  }
0x53: {  	s26 =	sadd.s32 $0x1, s26;
	s22 =	sadd.s32 $0x1, s24;
	s24 =	sand.u32 $0x1, s20  }
0x54: {  	p0 =	sne.s32 s26, $0x28;
	s31 =	sshll.u32 s24, $0xE;
	_ =	swait.ge [sflag:s22], $0x3E80  }
0x55: {  	[sflag:s22] =	ssyncset.done $0x0  }
.Ltmp1:
0x56: {  	s29 =	sor.u32 $0x2800, s28;
	[sflag:s22] =	ssyncadd.s32 $0xFFFFC180;
	(pc) =	sbr.rel @p0 .LBB2_4-.Ltmp1, $4  }
0x57: {  	[spmem:s1] =	stream.indirect.scatter.add.f32 [tilespmem:s29], [sflag:$0x3], $0x80, s25, s15, $0xb8;
	[tilespmem:$0x1E400] =	vst v63  }
0x58: {  	s28 =	smov.u32 s31;
	_ =	swait.ge [sflag:s14], $0x3E80  }
0x59: {  	p1 =	sgt.u32 s30, $0x25;
	s25 =	sadd.s32 $0x80, s25;
	[sflag:s14] =	ssyncset.done $0x0  }
0x5a: {  	s23 =	sadd.s32 $0x80, s23;
	s30 =	simm.s32 @!p1 $0x7D;
	[sflag:s14] =	ssyncadd.s32 $0xFFFFC180  }
0x5b: {  	[tilespmem:s29], [sflag:s22] =	stream.indirect.gather @!p1 [hbm4b:s4+s30], $0x80, s21, s30, $0xb8;
	[tilespmem:$0x1E400] =	vst v63  }
0x5c: {  	s21 =	sadd.s32 $0x1, s24  }
0x5d: {  	_ =	swait.ge [sflag:s21], $0x3E80  }
0x5e: {  	[sflag:s21] =	ssyncset.done $0x0  }
0x5f: {  	s22 =	sor.u32 $0x2800, s28;
	[sflag:s21] =	ssyncadd.s32 $0xFFFFC180  }
0x60: {  	[spmem:s1] =	stream.indirect.scatter.add.f32 [tilespmem:s22], [sflag:$0x3], $0x80, s25, s15, $0xb8;
	[tilespmem:$0x1E400] =	vst v63  }
0x61: {  	_ =	swait.ge [sflag:s14], $0x3E80  }
0x62: {  	p0 =	sgt.u32 s20, $0x25;
	[sflag:s14] =	ssyncset.done $0x0  }
0x63: {  	s19 =	sadd.s32 $0x1, s19;
	s20 =	simm.s32 @!p0 $0x7D;
	[sflag:s14] =	ssyncadd.s32 $0xFFFFC180  }
0x64: {  	[tilespmem:s22], [sflag:s21] =	stream.indirect.gather @!p0 [hbm4b:s4+s20], $0x80, s23, s20, $0xb8;
	[tilespmem:$0x1E400] =	vst v63  }
0x65: {  	p0 =	sne.s32 s19, s11  }
.Ltmp2:
0x66: {  	[bflag:$0x0] =	sbarrier.arrive $0xFFFF;
	(pc) =	sbr.rel @p0 .LBB2_1-.Ltmp2, $4  }
0x67: {  	[hbm:s10], [sflag:s12] =	dma.local [spmem:s13], $0x2780  }
0x68: {  	_ =	swait.ge [sflag:s14], $0x2780  }
0x69: {  	[sflag:s14] =	ssyncset.done $0x0  }
0x6a: {  	[sflag:s14] =	ssyncadd.s32 $0xFFFFD880  }
0x6b: {  	_ =	sfence.sel $0x180000  }
0x6c: {  	[bflag:$0x0] =	sbarrier.arrive $0xFFFF  }
0x6d: {  	p0 =	sne.s32 s2, $0x0;
	_ =	strace $0x9000004A  }
0x6e: {  	s0 =	sadd.s32 @!p0 $0x100000, s0;
	[bflag:$0x2] =	sbarrier.arrive $0xFFFF  }
0x6f: {  	[sflag:s0] =	ssyncadd.tile.s32 @!p0 $0x1;
	_ =	shalt  }
.Lfunc_end2:
_tile_overlayer_lowered:
.L_overlay_start_2:
0x70: {  	(tag) =	ssettag $0x2  }
0x71: {  	s0 =	rddreg [dreg:$0x0];
	s2 =	stileid.u32  }
0x72: {  	s1 =	rddreg [dreg:$0x1];
	p0 =	sne.s32 s2, $0x0  }
0x73: {  	s3 =	rddreg [dreg:$0x2];
	[bflag:$0x3] =	sbarrier.arrive $0xFFFF;
	s2 =	simm.s32 @!p0 $0x1C03  }
0x74: {  	[timem:s3], [sflag:s2] =	dma.local @!p0 [hbm:s0], s1  }
0x75: {  	s0 =	simm.s32 @!p0 $0x3  }
0x76: {  	_ =	swait.ge @!p0 [sflag:s0], s1  }
0x77: {  	s1 =	ssub.s32 @!p0 $0x0, s1;
	[sflag:s0] =	ssyncset.done @!p0 $0x0  }
0x78: {  	[sflag:s0] =	ssyncadd.s32 @!p0 s1  }
0x79: {  	[bflag:$0x3] =	sbarrier.arrive $0xFFFF  }
0x7a: {  	_ =	shalt  }

// kernel: kernel.7.cloned.1.call-start
scs
__scs_entry_jumppad:
0x0: {  	(pc) =	sbr.rel $0x88, $3  }
0x1: {  	(tag) =	ssettag $0x0;
	lr =	simm.s32 $0x1  }
0x2: {  	[smem:$0x3F99] =	sst lr;
	_ =	strace $0xD0000000  }
0x3: {  	_ = 	snop  }
0x4: {  	_ = 	snop  }
0x5: {  	_ = 	snop  }
0x6: {  	_ = 	snop  }
0x7: {  	_ = 	snop  }
__scs_overlays_trampoline_lowered:
0x8: {  	[smem:$0x3FA8] =	sst s0  }
0x9: {  	[smem:$0x3FA9] =	sst s1  }
0xa: {  	[smem:$0x3FAA] =	sst s2  }
0xb: {  	[smem:$0x3FAB] =	sst s3  }
0xc: {  	[smem:$0x3FAC] =	sst s4  }
0xd: {  	[smem:$0x3FAD] =	sst s5  }
0xe: {  	[smem:$0x3FAE] =	sst s6  }
0xf: {  	[smem:$0x3FAF] =	sst s7  }
0x10: {  	[smem:$0x3FB0] =	sst s8  }
0x11: {  	[smem:$0x3FB1] =	sst s9;
	s0 =	simm.s32 @!p0 $0x0  }
0x12: {  	s1 =	sld [smem:$0x3F97];
	s0 =	simm.s32 @p0 $0x1  }
0x13: {  	[smem:$0x3FB2] =	sst s0;
	s0 =	simm.s32 @!p1 $0x0  }
0x14: {  	s2 =	sld [smem:$0x3F96];
	s0 =	simm.s32 @p1 $0x1  }
0x15: {  	[smem:$0x3FB3] =	sst s0;
	s0 =	simm.s32 @!p2 $0x0  }
0x16: {  	s3 =	sld [smem:$0x3FDB];
	s0 =	simm.s32 @p2 $0x1  }
0x17: {  	s4 =	simm.s32 $0x1BF5;
	[smem:$0x3FB5] =	sst s0  }
0x18: {  	s0 =	sld [smem:$0x3F98];
	_ =	swait.ge [sflag:s4], $0x0  }
0x19: {  	s7 =	sld [smem:$0x3F99]  }
0x1a: {  	s8 =	sadd.s32 $0xFFFFE003, lr  }
0x1b: {  	s9 =	sadd.s32 $0xFFFFFEF7, lr;
	s5 =	simm.s32 $0xFFFFFFFF;
	p2 =	slt.u32 s8, $0xFFFFF086  }
0x1c: {  	p1 =	slt.u32 s9, $0xF7A;
	s5 =	simm.s32 @!p2 $0x0  }
0x1d: {  	s5 =	simm.s32 @p1 $0x1;
	p0 =	seq.s32 s7, s2  }
0x1e: {  	s7 =	smul.u32 @!p0 $0xF7A, s2;
	p2 =	seq.s32 @!p0 s5, $0x0  }
0x1f: {  	s9 =	smul.u32 $0xF7A, s1;
	s8 =	simm.s32 @!p0 $0x1BF5;
	p2 =	por !p2, p0  }
0x20: {  	[sflag:s8] =	ssyncset.s32 @!p0 $0xFFFFF086;
	s6 =	sadd.s32 @!p0 s3, s7;
	s7 =	simm.s32 @!p0 $0x108  }
0x21: {  	s3 =	sadd.s32 s3, s9;
	s6 =	sadd.s32 @!p0 $0x88, s6;
	s7 =	simm.s32 @p2 $0x1082  }
0x22: {  	[simem:s7], [sflag:s8] =	dma.local @!p0 [hbm:s6], $0xF7A  }
0x23: {  	s9 =	sor.u32 $0xD0000000, s2;
	s6 =	simm.s32 $0x108;
	_ =	swait.ge @!p0 [sflag:s8], $0x0  }
0x24: {  	s3 =	sadd.s32 $0x88, s3;
	s6 =	simm.s32 @!p1 $0x1082;
	[sflag:s4] =	ssyncset.s32 $0xFFFFF086  }
0x25: {  	[simem:s6], [sflag:s4] =	dma.local [hbm:s3], $0xF7A  }
0x26: {  	[smem:$0x3F99] =	sst s1;
	(tag) =	ssettag s2;
	_ =	strace s9  }
0x27: {  	s1 =	sld [smem:$0x3FA9]  }
0x28: {  	s2 =	sld [smem:$0x3FAA]  }
0x29: {  	s4 =	sld [smem:$0x3FAC]  }
0x2a: {  	p0 =	seq.s32 s5, $0x0;
	s5 =	sld [smem:$0x3FAD]  }
0x2b: {  	s6 =	sld [smem:$0x3FAE]  }
0x2c: {  	s7 =	sld [smem:$0x3FAF]  }
0x2d: {  	s3 =	simm.s32 $0x108;
	s8 =	sld [smem:$0x3FB0]  }
0x2e: {  	s3 =	simm.s32 @!p0 $0x1082;
	s9 =	sld [smem:$0x3FB1]  }
0x2f: {  	lr =	sadd.s32 s0, s3;
	s0 =	sld [smem:$0x3FA8]  }
0x30: {  	s3 =	sld [smem:$0x3FAB]  }
0x31: {  	[smem:$0x3FB4] =	sst s10  }
0x32: {  	s10 =	sld [smem:$0x3FB2];
	_ =	sdelay $0x3  }
0x33: {  	p0 =	seq.s32 s10, $0x1;
	s10 =	sld [smem:$0x3FB4];
	_ =	sdelay $0x3  }
0x34: {  	[smem:$0x3FB4] =	sst s10  }
0x35: {  	s10 =	sld [smem:$0x3FB3];
	_ =	sdelay $0x3  }
0x36: {  	p1 =	seq.s32 s10, $0x1;
	s10 =	sld [smem:$0x3FB4];
	_ =	sdelay $0x3  }
0x37: {  	[smem:$0x3FB4] =	sst s10  }
0x38: {  	s10 =	sld [smem:$0x3FB5]  }
0x39: {  	_ = 	snop;
	(pc) =	sbr.ind lr, $3  }
0x3a: {  	_ = 	snop  }
0x3b: {  	_ = 	snop  }
0x3c: {  	p2 =	seq.s32 s10, $0x1;
	s10 =	sld [smem:$0x3FB4]  }
0x3d: {  	_ =	shalt  }
0x3e: {  	_ =	shalt  }
0x3f: {  	_ =	shalt  }
0x40: {  	_ =	shalt  }
0x41: {  	_ =	shalt  }
0x42: {  	_ =	shalt  }
0x43: {  	_ =	shalt  }
0x44: {  	_ =	shalt  }
0x45: {  	_ =	shalt  }
0x46: {  	_ =	shalt  }
0x47: {  	_ =	shalt  }
0x48: {  	_ =	shalt  }
0x49: {  	_ =	shalt  }
0x4a: {  	_ =	shalt  }
0x4b: {  	_ =	shalt  }
0x4c: {  	_ =	shalt  }
0x4d: {  	_ =	shalt  }
0x4e: {  	_ =	shalt  }
0x4f: {  	_ =	shalt  }
0x50: {  	_ =	shalt  }
0x51: {  	_ =	shalt  }
0x52: {  	_ =	shalt  }
0x53: {  	_ =	shalt  }
0x54: {  	_ =	shalt  }
0x55: {  	_ =	shalt  }
0x56: {  	_ =	shalt  }
0x57: {  	_ =	shalt  }
0x58: {  	_ =	shalt  }
0x59: {  	_ =	shalt  }
0x5a: {  	_ =	shalt  }
0x5b: {  	_ =	shalt  }
0x5c: {  	_ =	shalt  }
0x5d: {  	_ =	shalt  }
0x5e: {  	_ =	shalt  }
0x5f: {  	_ =	shalt  }
0x60: {  	_ =	shalt  }
0x61: {  	_ =	shalt  }
0x62: {  	_ =	shalt  }
0x63: {  	_ =	shalt  }
0x64: {  	_ =	shalt  }
0x65: {  	_ =	shalt  }
0x66: {  	_ =	shalt  }
0x67: {  	_ =	shalt  }
0x68: {  	_ =	shalt  }
0x69: {  	_ =	shalt  }
0x6a: {  	_ =	shalt  }
0x6b: {  	_ =	shalt  }
0x6c: {  	_ =	shalt  }
0x6d: {  	_ =	shalt  }
0x6e: {  	_ =	shalt  }
0x6f: {  	_ =	shalt  }
0x70: {  	_ =	shalt  }
0x71: {  	_ =	shalt  }
0x72: {  	_ =	shalt  }
0x73: {  	_ =	shalt  }
0x74: {  	_ =	shalt  }
0x75: {  	_ =	shalt  }
0x76: {  	_ =	shalt  }
0x77: {  	_ =	shalt  }
0x78: {  	_ =	shalt  }
0x79: {  	_ =	shalt  }
0x7a: {  	_ =	shalt  }
0x7b: {  	_ =	shalt  }
0x7c: {  	_ =	shalt  }
0x7d: {  	_ =	shalt  }
0x7e: {  	_ =	shalt  }
0x7f: {  	_ =	shalt  }
0x80: {  	_ =	shalt  }
0x81: {  	_ =	shalt  }
0x82: {  	_ =	shalt  }
0x83: {  	_ =	shalt  }
0x84: {  	_ =	shalt  }
0x85: {  	_ =	shalt  }
0x86: {  	_ =	shalt  }
0x87: {  	_ =	shalt  }
.Lfunc_end0:
.L_simem_size_0:
called_computation_lowered:
.L_overlay_start_0:
0x88: {  	s2 =	sld [smem:$0x3FD9]  }
0x89: {  	s3 =	sld [smem:$0x3FFE];
	_ =	sdelay $0x1  }
0x8a: {  	s1 =	srdreg.scid  }
0x8b: {  	s0 =	sand.u32 $0x1, s1  }
0x8c: {  	s17 =	sshll.u32 s0, $0xA;
	s2 =	sadd.s32 s3, s2  }
0x8d: {  	s2 =	sadd.s32 s2, s17  }
0x8e: {  	[smem:$0x3FC0] =	sst s2  }
0x8f: {  	_ = 	snop  }
0x90: {  	s2 =	sld [smem:$0x3FD0];
	(tm) =	ssettm $0x1  }
0x91: {  	s18 =	sld [smem:$0x3FFB];
	_ =	sdelay $0x3  }
0x92: {  	_ =	strace s18  }
0x93: {  	s3 =	sld [smem:$0x3FFC];
	_ =	sdelay $0x3  }
0x94: {  	_ =	strace s3  }
0x95: {  	s3 =	sld [smem:$0x3FFD];
	_ =	sdelay $0x3  }
0x96: {  	_ =	strace s3  }
0x97: {  	_ =	strace $0x8FFFFFFF  }
0x98: {  	s19 =	sld [smem:$0x3FDB];
	_ =	sdelay $0x1  }
0x99: {  	s4 =	simm.s32 $_scs_section_size  }
0x9a: {  	s5 =	simm.s32 $_size__tile_overlayer_lowered;
	s6 =	simm.s32 $_tile_overlayer_lowered  }
0x9b: {  	s22 =	simm.s32 $0x1BFF;
	s21 =	sshll.u32 s6, $0x1;
	s3 =	sadd.s32 s4, s19  }
0x9c: {  	s7 =	simm.s32 $0x0;
	s20 =	sshll.u32 s5, $0x1;
	s5 =	sadd.s32 s21, s3  }
0x9d: {  	[timem:s7], [sflag:s22] =	dma.local [hbm:s5], s20  }
0x9e: {  	_ =	swait.ge [sflag:s22], s20  }
0x9f: {  	s4 =	ssub.s32 $0x0, s20;
	[sflag:s22] =	ssyncset.done $0x0  }
0xa0: {  	[sflag:s22] =	ssyncadd.s32 s4;
	_ =	sdelay $0x1  }
0xa1: {  	s23 =	simm.s32 $0x1B8B  }
0xa2: {  	_ =	swait.ge [sflag:s23], $0x1  }
0xa3: {  	[sflag:s23] =	ssyncset.done $0x0  }
0xa4: {  	s25 =	simm.s32 $0x1B8E;
	s24 =	sld [smem:$0x3FFE];
	[sflag:s23] =	ssyncadd.s32 $0xFFFFFFFF  }
0xa5: {  	s26 =	simm.s32 $execute0_lowered;
	[smem:$0x3FD2] =	sst s25  }
0xa6: {  	s5 =	sshll.u32 s26, $0x1;
	_ =	strace $0x80000046;
	[dreg:$0x1] =	wrdreg $0xFFFFFFFF  }
0xa7: {  	s28 =	simm.s32 $_size_execute0_lowered;
	s3 =	sadd.s32 s3, s5;
	[dreg:$0x0] =	wrdreg $0x0  }
0xa8: {  	s5 =	sshll.u32 s28, $0x1;
	[dreg:$0x2] =	wrdreg s3  }
0xa9: {  	[dreg:$0x3] =	wrdreg s5  }
0xaa: {  	[dreg:$0x4] =	wrdreg $0xC0  }
0xab: {  	_ =	task [dreg:s7], $0x5FFFF  }
0xac: {  	[dreg:$0x1] =	wrdreg $0xFFFFFFFF  }
0xad: {  	[dreg:$0x0] =	wrdreg $0x60  }
0xae: {  	[dreg:$0x2] =	wrdreg s24  }
0xaf: {  	[dreg:$0x3] =	wrdreg s2  }
0xb0: {  	[dreg:$0x4] =	wrdreg $0x28800  }
0xb1: {  	[dreg:$0x5] =	wrdreg $0x9  }
0xb2: {  	_ =	task.clear_ibuf [dreg:s7], $0x6FFFF;
	_ =	strace $0x90000046  }
0xb3: {  	s29 =	simm.s32 $0x9;
	_ =	strace $0x80000048  }
0xb4: {  	_ =	swait.ge [sflag:s29], $0x1  }
0xb5: {  	[sflag:s29] =	ssyncadd.s32 $0xFFFFFFFF  }
0xb6: {  	_ =	strace $0x90000048  }
0xb7: {  	_ =	sfence  }
0xb8: {  	s30 =	sld [smem:$0x0];
	_ =	sdelay $0x2  }
0xb9: {  	s31 =	sshll.u32 s1, $0xD;
	s1 =	sshrl.u32 s1, $0x2  }
0xba: {  	s3 =	sand.u32 $0x4000, s31;
	s1 =	sadd.s32 s1, s30  }
0xbb: {  	s0 =	sor.u32 s3, s0;
	s1 =	sshll.u32 s1, $0x11  }
0xbc: {  	s0 =	sor.u32 s1, s0  }
0xbd: {  	s0 =	sadd.s32 $0x8F2B, s0  }
0xbe: {  	[sflag:s0] =	ssyncadd.remote.s32 $0x1  }
0xbf: {  	_ =	sfence.sel $0xFFFF  }
0xc0: {  	[dreg:$0x0] =	wrdreg $0xFFFFFFFF;
	(pc) =	sbr.abs _section_cstart, $3  }
0xc1: {  	[dreg:$0x1] =	wrdreg $0xFFFFFFFF  }
0xc2: {  	_ =	task.clear_ibuf [dreg:s7], $0x2FFFF;
	_ =	strace $0x9FFFFFFF  }
0xc3: {  	(tm) =	ssettm $0x7FFFFFFF  }
tec
execute0_lowered:
.L_overlay_start_1:
0x0: {  	(tag) =	ssettag $0x1  }
0x1: {  	s6 =	rddreg [dreg:$0x0]  }
0x2: {  	s0 =	srdreg.scid;
	s2 =	rddreg [dreg:$0x1]  }
0x3: {  	s3 =	rddreg [dreg:$0x2];
	s4 =	simm.s32 $0x0;
	s13 =	simm.s32 $0x7D  }
0x4: {  	s14 =	simm.s32 $0x1;
	s15 =	simm.s32 $0x20;
	s16 =	simm.s32 $0x10  }
0x5: {  	s17 =	simm.s32 $0x0;
	s7 =	sand.u32 $0x1, s0;
	s0 =	stileid.u32  }
0x6: {  	[smem:$0x7FF] =	sst s4;
	s1 =	sshll.u32 s7, $0x4;
	s8 =	smul.u32 $0x500, s0  }
0x7: {  	s9 =	sshll.u32 s7, $0x7;
	s29 =	smul.u32 $0xA00, s0;
	s7 =	ssub.s32 $0x2, s7  }
0x8: {  	s31 =	sshll.u32 s0, $0x6;
	s5 =	sor.u32 s0, s1;
	s1 =	rddreg [dreg:$0x3]  }
0x9: {  	_ =	strace $0x80000047;
	s30 =	sshrl.u32 s7, $0x1;
	s5 =	smul.u32 $0x500, s5  }
0xa: {  	s8 =	sor.u32 s9, s8;
	s9 =	sshrl.u32 s29, $0x2;
	s11 =	ssub.s32 s7, s30  }
0xb: {  	s8 =	sshrl.u32 s8, $0x3;
	s12 =	sadd.s32 s9, s3;
	s9 =	simm.s32 $0x2  }
0xc: {  	s10 =	sadd.s32 s5, s6;
	s5 =	sadd.s32 $0xB800, s6;
	s8 =	sadd.s32 s8, s6  }
0xd: {  	s12 =	sshrl.u32 s12, $0x3;
	s6 =	sadd.s32 $0x1800, s10;
	s7 =	sadd.s32 $0xBA00, s8  }
0xe: {  	s8 =	smax.u32 s11, $0x1;
	s10 =	simm.s32 $0x2800;
	s11 =	sor.u32 $0x1C02, s31  }
.LBB2_1:
0xf: {  	[tilespmem:s4], [sflag:$0x2] =	stream.linear.gather [hbm4b:s6+s4], $0x2800, $0x38;
	[tilespmem:$0x2B00] =	vst v63  }
0x10: {  	_ =	swait.ge [sflag:s9], $0x2800  }
0x11: {  	[sflag:s9] =	ssyncset.done $0x0  }
0x12: {  	[sflag:s9] =	ssyncadd.s32 $0xFFFFD800  }
0x13: {  	[tilespmem:s10], [sflag:$0x2] =	stream.linear.gather [hbm4b:s5+s4], $0x80, $0x38;
	[tilespmem:$0x2B00] =	vst v63  }
0x14: {  	_ =	swait.ge [sflag:s9], $0x80  }
0x15: {  	[sflag:s9] =	ssyncset.done $0x0  }
0x16: {  	[sflag:s9] =	ssyncadd.s32 $0xFFFFFF80  }
0x17: {  	[spmem:s12], [sflag:s11] =	dma.local [hbm:s2], $0x50  }
0x18: {  	_ =	swait.ge [sflag:s9], $0x50  }
0x19: {  	[sflag:s9] =	ssyncset.done $0x0  }
0x1a: {  	[sflag:s9] =	ssyncadd.s32 $0xFFFFFFB0  }
0x1b: {  	s18 =	simm.s32 $0x0;
	[bflag:$0x0] =	sbarrier.arrive $0xFFFF  }
.LBB2_2:
0x1c: {  	p0 =	sne.s32 s18, $0x9E00  }
.Ltmp0:
0x1d: {  	_ = 	snop;
	(pc) =	sbr.rel @p0 .LBB2_2-.Ltmp0, $3  }
0x1e: {  	_ =	sdelay $0x1  }
0x1f: {  	s19 =	sshra.s32 s18, $0x2;
	s18 =	sadd.s32 $0x200, s18  }
0x20: {  	[spmem:s3] =	stream.indirect.scatter.add.f32 [tilespmem:s10], [sflag:$0x1], $0x1, s19, s13, $0xb8;
	[tilespmem:$0x2B00] =	vst v63  }
0x21: {  	_ =	swait.ge [sflag:s14], $0x7D  }
0x22: {  	s18 =	simm.s32 $0x4F;
	[sflag:s14] =	ssyncset.done $0x0  }
.LBB2_4:
0x23: {  	p0 =	sne.s32 s18, $0x1;
	s18 =	sadd.s32 $0xFFFFFFFF, s18;
	[sflag:s14] =	ssyncadd.s32 $0xFFFFFF83  }
.Ltmp1:
0x24: {  	(pc) =	sbr.rel @p0 .LBB2_4-.Ltmp1, $3  }
0x25: {  	_ =	sdelay $0x1  }
0x26: {  	_ =	swait.ge [sflag:s14], $0x7D  }
0x27: {  	[sflag:s14] =	ssyncset.done $0x0  }
0x28: {  	s17 =	sadd.s32 $0x1, s17  }
0x29: {  	[sflag:s14] =	ssyncadd.s32 $0xFFFFFF83;
	p0 =	sne.s32 s17, s8  }
.Ltmp2:
0x2a: {  	[bflag:$0x0] =	sbarrier.arrive $0xFFFF;
	(pc) =	sbr.rel @p0 .LBB2_1-.Ltmp2, $4  }
0x2b: {  	[hbm:s7@s15], [sflag:s11] =	dma.strided [spmem:s12@s16], $0x50, s14, $0x10   }
0x2c: {  	_ =	swait.ge [sflag:s9], $0x50  }
0x2d: {  	[sflag:s9] =	ssyncset.done $0x0  }
0x2e: {  	[sflag:s9] =	ssyncadd.s32 $0xFFFFFFB0  }
0x2f: {  	_ =	sfence.sel $0x180000  }
0x30: {  	[bflag:$0x0] =	sbarrier.arrive $0xFFFF  }
0x31: {  	p0 =	sne.s32 s0, $0x0;
	_ =	strace $0x90000047  }
0x32: {  	s0 =	sadd.s32 @!p0 $0x100000, s1;
	[bflag:$0x2] =	sbarrier.arrive $0xFFFF  }
0x33: {  	[sflag:s0] =	ssyncadd.tile.s32 @!p0 $0x1;
	_ =	shalt  }
.Lfunc_end2:
_tile_overlayer_lowered:
.L_overlay_start_2:
0x34: {  	(tag) =	ssettag $0x2  }
0x35: {  	s0 =	rddreg [dreg:$0x0];
	s2 =	stileid.u32  }
0x36: {  	s1 =	rddreg [dreg:$0x1];
	p0 =	sne.s32 s2, $0x0  }
0x37: {  	s3 =	rddreg [dreg:$0x2];
	[bflag:$0x3] =	sbarrier.arrive $0xFFFF;
	s2 =	simm.s32 @!p0 $0x1C02  }
0x38: {  	[timem:s3], [sflag:s2] =	dma.local @!p0 [hbm:s0], s1  }
0x39: {  	s0 =	simm.s32 @!p0 $0x2  }
0x3a: {  	_ =	swait.ge @!p0 [sflag:s0], s1  }
0x3b: {  	s1 =	ssub.s32 @!p0 $0x0, s1;
	[sflag:s0] =	ssyncset.done @!p0 $0x0  }
0x3c: {  	[sflag:s0] =	ssyncadd.s32 @!p0 s1  }
0x3d: {  	[bflag:$0x3] =	sbarrier.arrive $0xFFFF  }
0x3e: {  	_ =	shalt  }

</sc_bundles>
